<compile_context>
chip_gen: v7x
topology: tpu7x:2x2x1
jax: 0.10.2.dev20260603
libtpu: 0.0.44.dev20260713+nightly
codegen_flags: <defaults>
</compile_context>

<pallas_src>
import functools
import jax
import jax.numpy as jnp
from jax import lax
from jax.experimental import pallas as pl
from jax.experimental.pallas import tpu as pltpu
from jax.experimental.pallas import tpu_sc as plsc

N_ATOMS = 10000
N_NEI = 32
TBL = 4 * N_ATOMS
DEAD = TBL - 1
NR = 10240
HALF = NR // 2
RPW = HALF // 32
CHUNK = RPW * 128
FLATH = HALF * 128
ACC = 40960
DRN = ACC // 16
BATOMS = 1024
GRID = HALF // BATOMS


def _sc_mesh():
    return plsc.VectorSubcoreMesh(core_axis_name="c", subcore_axis_name="s",
                                  num_cores=2, num_subcores=16)


def _gather_body(catf, imap, nb, ii, vals, tbl, sem):
    c = lax.axis_index("c")
    s = lax.axis_index("s")
    wid = s * 2 + c
    base = wid * CHUNK

    @pl.when(s == 0)
    def _():
        pltpu.sync_copy(catf, tbl)

    pltpu.sync_copy(imap.at[pl.ds(base, CHUNK)], ii)
    plsc.subcore_barrier()
    pltpu.async_copy(tbl.at[ii], vals, sem).wait()
    pltpu.sync_copy(vals, nb.at[pl.ds(base, CHUNK)])


def _sc_gather(catf, imap):
    return pl.kernel(
        _gather_body,
        out_type=jax.ShapeDtypeStruct((FLATH,), jnp.float32),
        mesh=_sc_mesh(),
        scratch_types=[
            pltpu.VMEM((CHUNK,), jnp.int32),
            pltpu.VMEM((CHUNK,), jnp.float32),
            pltpu.VMEM_SHARED((TBL,), jnp.float32),
            pltpu.SemaphoreType.DMA,
        ],
    )(catf, imap)


def _scatter_body(fe, imap, part, ii, vals, zbuf, acc, sem):
    c = lax.axis_index("c")
    s = lax.axis_index("s")
    wid = s * 2 + c
    base = wid * CHUNK

    def _z(i, carry):
        zbuf[pl.ds(i * 16, 16)] = jnp.zeros((16,), jnp.float32)
        return carry
    lax.fori_loop(0, DRN // 16, _z, 0)
    pltpu.sync_copy(zbuf, acc.at[pl.ds(s * DRN, DRN)])
    pltpu.sync_copy(imap.at[pl.ds(base, CHUNK)], ii)
    pltpu.sync_copy(fe.at[pl.ds(base, CHUNK)], vals)
    plsc.subcore_barrier()
    pltpu.sync_copy(vals, acc.at[ii], add=True)
    plsc.subcore_barrier()
    pltpu.sync_copy(acc.at[pl.ds(s * DRN, DRN)],
                    part.at[c, pl.ds(s * DRN, DRN)])


def _sc_scatter(fe, imap):
    return pl.kernel(
        _scatter_body,
        out_type=jax.ShapeDtypeStruct((2, ACC), jnp.float32),
        mesh=_sc_mesh(),
        scratch_types=[
            pltpu.VMEM((CHUNK,), jnp.int32),
            pltpu.VMEM((CHUNK,), jnp.float32),
            pltpu.VMEM((DRN,), jnp.float32),
            pltpu.VMEM_SHARED((ACC,), jnp.float32),
            pltpu.SemaphoreType.DMA,
        ],
    )(fe, imap)


def _dense_body(row0, nb, ebc, avg, istd,
                w0, b0, w1, b1, w2, b2, w3, b3, w4, b4, w5r, b5,
                fe, ener):
    i = pl.program_id(0)
    B = BATOMS
    dot = functools.partial(jnp.dot, precision=lax.Precision.DEFAULT,
                            preferred_element_type=jnp.float32)
    dotT = functools.partial(lax.dot_general,
                             dimension_numbers=(((1,), (1,)), ((), ())),
                             precision=lax.Precision.DEFAULT,
                             preferred_element_type=jnp.float32)

    nbr = nb[...]
    cbc = jnp.dot(nbr[:, 96:104], ebc[...],
                  precision=lax.Precision.HIGHEST,
                  preferred_element_type=jnp.float32)
    rxyz = nbr[:, 0:96] - cbc
    rx = rxyz[:, 0:32]
    ry = rxyz[:, 32:64]
    rz = rxyz[:, 64:96]
    r2 = rx * rx + ry * ry + rz * rz + 1e-6
    inv_r2 = 1.0 / r2
    r = jnp.sqrt(r2)
    inv_r = 1.0 / r

    raw = jnp.concatenate([inv_r, rx * inv_r2, ry * inv_r2, rz * inv_r2],
                          axis=1)
    sel = jnp.broadcast_to(nbr[:, 99:100] == 0.0, (B, 128))
    avg_row = jnp.where(sel, jnp.broadcast_to(avg[0:1, :], (B, 128)),
                        jnp.broadcast_to(avg[1:2, :], (B, 128)))
    istd_row = jnp.where(sel, jnp.broadcast_to(istd[0:1, :], (B, 128)),
                         jnp.broadcast_to(istd[1:2, :], (B, 128)))
    sdesc = (raw - avg_row) * istd_row

    h0 = jnp.tanh(dot(sdesc, w0[...]) + b0[...])
    h1 = jnp.tanh(dot(h0, w1[...]) + b1[...])
    h2 = jnp.tanh(dot(h1, w2[...]) + b2[...])
    h3 = jnp.tanh(dot(h2, w3[...]) + b3[...])
    h4 = jnp.tanh(dot(h3, w4[...]) + b4[...])
    atom_e = jnp.sum(h4 * w5r[...], axis=1, keepdims=True) + b5[0:1, 0:1]
    rid = lax.broadcasted_iota(jnp.int32, (B, 1), 0) + i * B + row0
    atom_e = jnp.where(rid < N_ATOMS, atom_e, 0.0)

    @pl.when(i == 0)
    def _():
        ener[...] = jnp.zeros((1, 128), jnp.float32)
    ener[...] += jnp.broadcast_to(jnp.sum(atom_e).reshape(1, 1), (1, 128))

    d4 = (1.0 - h4 * h4) * w5r[...]
    d3 = dotT(d4, w4[...]) * (1.0 - h3 * h3)
    d2 = dotT(d3, w3[...]) * (1.0 - h2 * h2)
    d1 = dotT(d2, w2[...]) * (1.0 - h1 * h1)
    d0 = dotT(d1, w1[...]) * (1.0 - h0 * h0)
    g = dotT(d0, w0[...]) * istd_row

    g0 = g[:, 0:32]
    gx = g[:, 32:64]
    gy = g[:, 64:96]
    gz = g[:, 96:128]
    gdot = gx * rx + gy * ry + gz * rz
    common = g0 * inv_r * inv_r2 + 2.0 * gdot * inv_r2 * inv_r2
    dfx = gx * inv_r2 - rx * common
    dfy = gy * inv_r2 - ry * common
    dfz = gz * inv_r2 - rz * common

    fe[...] = jnp.concatenate(
        [-dfx, -dfy, -dfz,
         jnp.sum(dfx, axis=1, keepdims=True),
         jnp.sum(dfy, axis=1, keepdims=True),
         jnp.sum(dfz, axis=1, keepdims=True),
         jnp.zeros((B, 29), jnp.float32)], axis=1)


def _tc_dense(row0, nb, ebc, avg, istd, ws):
    B = BATOMS
    row = lambda i: (i, 0)
    fixed = lambda i: (0, 0)
    full = lambda shape: pl.BlockSpec(shape, fixed)
    in_specs = [
        pl.BlockSpec((B, 128), row),
        full((8, 96)),
        full((8, 128)),
        full((8, 128)),
    ] + [full(w.shape) for w in ws]
    out_specs = [
        pl.BlockSpec((B, 128), row),
        pl.BlockSpec((1, 128), fixed),
    ]
    out_shape = [
        jax.ShapeDtypeStruct((HALF, 128), jnp.float32),
        jax.ShapeDtypeStruct((1, 128), jnp.float32),
    ]
    return pl.pallas_call(
        functools.partial(_dense_body, row0),
        grid=(GRID,),
        in_specs=in_specs,
        out_specs=out_specs,
        out_shape=out_shape,
        compiler_params=pltpu.CompilerParams(
            dimension_semantics=("arbitrary",)),
    )(nb, ebc, avg, istd, *ws)


def _pad2(a, rows, cols):
    return jnp.pad(a, ((0, rows - a.shape[0]), (0, cols - a.shape[1])))


def _group_cols(t):
    return jnp.concatenate([t[:, 0::4], t[:, 1::4], t[:, 2::4], t[:, 3::4]],
                           axis=1)


def kernel(coord, atype, nlist, t_avg, t_std,
           W0, b0, W1, b1, W2, b2, W3, b3, W4, b4, W5, b5):
    catf = jnp.concatenate([coord.reshape(-1),
                            atype.reshape(-1).astype(jnp.float32)])
    def build_imap(nl_part, a0, n_rows):
        nl3 = nl_part * 3
        ar = a0 + jnp.arange(nl_part.shape[0], dtype=jnp.int32)[:, None]
        dl = jnp.arange(28, dtype=jnp.int32)[None, :]
        dead_sp = 3 * N_ATOMS + (ar * 28 + dl) % N_ATOMS
        m = jnp.concatenate(
            [nl3, nl3 + 1, nl3 + 2,
             3 * ar, 3 * ar + 1, 3 * ar + 2, 3 * N_ATOMS + ar,
             dead_sp], axis=1)
        npad = n_rows - nl_part.shape[0]
        if npad:
            arp = jnp.arange(npad, dtype=jnp.int32)[:, None]
            lp = jnp.arange(128, dtype=jnp.int32)[None, :]
            pad_sp = 3 * N_ATOMS + (arp * 128 + lp) % N_ATOMS
            m = jnp.concatenate([m, pad_sp], axis=0)
        return m.reshape(-1)

    nl = nlist[0]
    imap1 = build_imap(nl[:HALF], 0, HALF)
    imap2 = build_imap(nl[HALF:], HALF, HALF)

    nb1 = _sc_gather(catf, imap1).reshape(HALF, 128)
    nb2 = _sc_gather(catf, imap2).reshape(HALF, 128)

    avg = jnp.pad(_group_cols(t_avg), ((0, 6), (0, 0)))
    istd = jnp.pad(_group_cols(1.0 / t_std), ((0, 6), (0, 0)))
    w0g = W0.reshape(32, 4, 240).transpose(1, 0, 2).reshape(128, 240)
    w0 = _pad2(w0g, 128, 256)
    ws = [w0, _pad2(b0[None, :], 1, 256),
          _pad2(W1, 256, 128), _pad2(b1[None, :], 1, 128),
          _pad2(W2, 128, 64), _pad2(b2[None, :], 1, 64),
          _pad2(W3, 64, 32), _pad2(b3[None, :], 1, 32),
          _pad2(W4, 32, 16), _pad2(b4[None, :], 1, 16),
          _pad2(W5.T, 1, 16), _pad2(b5[None, :], 1, 8)]

    ebc = jnp.pad(jnp.kron(jnp.eye(3, dtype=jnp.float32),
                           jnp.ones((1, 32), jnp.float32)), ((0, 5), (0, 0)))
    fe1, ener1 = _tc_dense(0, nb1, ebc, avg, istd, ws)
    fe2, ener2 = _tc_dense(HALF, nb2, ebc, avg, istd, ws)

    p1 = _sc_scatter(fe1.reshape(-1), imap1)
    p2 = _sc_scatter(fe2.reshape(-1), imap2)
    force = (p1[0, :3 * N_ATOMS] + p1[1, :3 * N_ATOMS]
             + p2[0, :3 * N_ATOMS] + p2[1, :3 * N_ATOMS]).reshape(
        1, N_ATOMS, 3)
    return ener1[0, 0:1] + ener2[0, 0:1], force

# --- scband reference (transcript-rebuilt; emitter-appended) ---
"""Pipeline reference for scband-model-loc-frame-69844758168153 (READ-ONLY COPY).

The authoritative reference and input builder live on the scoring server;
editing this copy changes nothing except your own understanding.
"""

import jax, jax.numpy as jnp
import numpy as np

NFRAMES = 1
NATOMS = 10000
NNEI = 32
NTYPES = 2
NDESC = NNEI * 4
NEURON = [240, 120, 60, 30, 10]
DIMS = [NDESC] + NEURON + [1]


def setup_inputs(seed: int = 0) -> dict:
    key = jax.random.key(seed)
    nlayer = len(DIMS) - 1
    ks = jax.random.split(key, 3 + 2 * nlayer)
    inp = {}
    inp['coord'] = jax.random.uniform(ks[0], (NFRAMES, NATOMS, 3), dtype=jnp.float32) * 20.0
    inp['atype'] = jax.random.randint(ks[1], (NFRAMES, NATOMS), 0, NTYPES, dtype=jnp.int32)
    inp['nlist'] = jax.random.randint(ks[2], (NFRAMES, NATOMS, NNEI), 0, NATOMS, dtype=jnp.int32)
    inp['t_avg'] = jnp.zeros((NTYPES, NDESC), dtype=jnp.float32)
    inp['t_std'] = jnp.ones((NTYPES, NDESC), dtype=jnp.float32)
    for i in range(nlayer):
        inp['W%d' % i] = jax.random.normal(ks[3 + 2 * i], (DIMS[i], DIMS[i + 1]), dtype=jnp.float32) / np.sqrt(DIMS[i])
        inp['b%d' % i] = jax.random.normal(ks[4 + 2 * i], (DIMS[i + 1],), dtype=jnp.float32) * 0.01
    return inp


def _descriptor(coord, atype, nlist, t_avg, t_std):
    # loc_frame-style descriptor: per neighbor [1/r, x/r^2, y/r^2, z/r^2],
    # standardized by per-type running mean/std (t_avg, t_std).
    F, N, _ = coord.shape
    nb = jax.vmap(lambda c, idx: c[idx])(coord, nlist.reshape(F, -1)).reshape(F, N, NNEI, 3)
    rij = nb - coord[:, :, None, :]
    r2 = jnp.sum(rij * rij, axis=-1) + 1e-6
    r = jnp.sqrt(r2)
    inv_r = 1.0 / r
    desc = jnp.concatenate([inv_r[..., None], rij / r2[..., None]], axis=-1)
    desc = desc.reshape(F, N, NDESC)
    avg = t_avg[atype]
    std = t_std[atype]
    return (desc - avg) / std


def _atom_net(desc, weights, biases):
    h = desc
    for i in range(len(weights) - 1):
        h = jnp.tanh(h @ weights[i] + biases[i])
    return (h @ weights[-1] + biases[-1])[..., 0]


def reference(coord, atype, nlist, t_avg, t_std,
              W0, b0, W1, b1, W2, b2, W3, b3, W4, b4, W5, b5):
    weights = [W0, W1, W2, W3, W4, W5]
    biases = [b0, b1, b2, b3, b4, b5]

    def energy_fn(c):
        desc = _descriptor(c, atype, nlist, t_avg, t_std)
        atom_ener = _atom_net(desc.reshape(-1, NDESC), weights, biases).reshape(c.shape[0], NATOMS)
        return jnp.sum(atom_ener, axis=1)

    energy = energy_fn(coord)
    # DeePMD computes forces inside the forward graph as -dE/dcoord (prod_force op)
    force = -jax.grad(lambda c: jnp.sum(energy_fn(c)))(coord)
    return (energy, force)

if __name__ == "__main__":
    import jax
    _d = setup_inputs()
    print(jax.jit(kernel)(*tuple(_d.values())))

</pallas_src>

<mosaic_0001>
#map = affine_map<(d0, d1) -> (0)>
module attributes {stable_mosaic.version = 14 : i64} {
  func.func @_gather_body(%arg0: i32, %arg1: i32, %arg2: memref<40000xf32, #tpu.memory_space<hbm>>, %arg3: memref<655360xi32, #tpu.memory_space<hbm>>, %arg4: memref<655360xf32, #tpu.memory_space<hbm>>, %arg5: memref<20480xi32, #tpu.memory_space<vmem>>, %arg6: memref<20480xf32, #tpu.memory_space<vmem>>, %arg7: memref<40000xf32, #tpu.memory_space<vmem_shared>>, %arg8: memref<!tpu.dma_semaphore, #tpu.memory_space<semaphore_mem>>) attributes {dimension_semantics = [#tpu.dimension_semantics<core_parallel>, #tpu.dimension_semantics<subcore_parallel>], iteration_bounds = array<i64: 2, 16>, scalar_prefetch = 0 : i64, scratch_operands = 4 : i64, tpu.core_type = #tpu.core_type<sc_vector_subcore>, window_params = [{transform_indices = #map}, {transform_indices = #map}, {transform_indices = #map}]} {
    %mul3A = arith.constant 2 : i32
    %mul3A_0 = arith.muli %arg1, %mul3A : i32
    %add3A = arith.addi %mul3A_0, %arg0 : i32
    %mul3A_1 = arith.constant 20480 : i32
    %mul3A_2 = arith.muli %add3A, %mul3A_1 : i32
    %eq3A = arith.constant 0 : i32
    %eq3A_3 = arith.cmpi eq, %arg1, %eq3A : i32
    %convert_element_type3A = arith.extui %eq3A_3 : i1 to i32
    %cond3A = arith.constant 0 : i32
    %cond3A_4 = arith.cmpi ne, %convert_element_type3A, %cond3A : i32
    scf.if %cond3A_4 {
      "tpu.region"() ({
        %run_scoped3A = tpu.sem_alloc : memref<!tpu.dma_semaphore, #tpu.memory_space<semaphore_mem>>
        tpu.enqueue_dma source(%arg2 : memref<40000xf32, #tpu.memory_space<hbm>>) target(%arg7 : memref<40000xf32, #tpu.memory_space<vmem_shared>>) target_semaphore(%run_scoped3A : memref<!tpu.dma_semaphore, #tpu.memory_space<semaphore_mem>>)
        tpu.wait_dma2 semaphore(%run_scoped3A : memref<!tpu.dma_semaphore, #tpu.memory_space<semaphore_mem>>) src(%arg2 : memref<40000xf32, #tpu.memory_space<hbm>>) dst(%arg7 : memref<40000xf32, #tpu.memory_space<vmem_shared>>)
        tpu.yield
      }) : () -> ()
    } else {
    }
    "tpu.region"() ({
      %run_scoped3A = tpu.sem_alloc : memref<!tpu.dma_semaphore, #tpu.memory_space<semaphore_mem>>
      %dma_start3A_7 = tpu.memref_slice %arg3[%mul3A_2] : memref<655360xi32, #tpu.memory_space<hbm>> -> memref<20480xi32, #tpu.memory_space<hbm>>
      %dma_start3A_8 = tpu.memref_slice %arg3[%mul3A_2] : memref<655360xi32, #tpu.memory_space<hbm>> -> memref<20480xi32, #tpu.memory_space<hbm>>
      tpu.enqueue_dma source(%dma_start3A_8 : memref<20480xi32, #tpu.memory_space<hbm>>) target(%arg5 : memref<20480xi32, #tpu.memory_space<vmem>>) target_semaphore(%run_scoped3A : memref<!tpu.dma_semaphore, #tpu.memory_space<semaphore_mem>>)
      %dma_wait3A_9 = tpu.memref_slice %arg3[%mul3A_2] : memref<655360xi32, #tpu.memory_space<hbm>> -> memref<20480xi32, #tpu.memory_space<hbm>>
      %dma_wait3A_10 = tpu.memref_slice %arg3[%mul3A_2] : memref<655360xi32, #tpu.memory_space<hbm>> -> memref<20480xi32, #tpu.memory_space<hbm>>
      tpu.wait_dma2 semaphore(%run_scoped3A : memref<!tpu.dma_semaphore, #tpu.memory_space<semaphore_mem>>) src(%dma_wait3A_10 : memref<20480xi32, #tpu.memory_space<hbm>>) dst(%arg5 : memref<20480xi32, #tpu.memory_space<vmem>>)
      tpu.yield
    }) : () -> ()
    %barrier3A = arith.constant 0 : index
    tpu.barrier barrier_id(%barrier3A)
    %dma_start3A = arith.constant 0 : i32
    %dma_start3A_5 = tpu.memref_slice %arg7[%dma_start3A] : memref<40000xf32, #tpu.memory_space<vmem_shared>> -> memref<40000xf32, #tpu.memory_space<vmem_shared>>
    tpu.enqueue_indirect_dma source(%dma_start3A_5 : memref<40000xf32, #tpu.memory_space<vmem_shared>>) target(%arg6 : memref<20480xf32, #tpu.memory_space<vmem>>) offsets(%arg5 : memref<20480xi32, #tpu.memory_space<vmem>>) semaphore(%arg8 : memref<!tpu.dma_semaphore, #tpu.memory_space<semaphore_mem>>)
    %dma_wait3A = arith.constant 0 : i32
    %dma_wait3A_6 = tpu.memref_slice %arg7[%dma_wait3A] : memref<40000xf32, #tpu.memory_space<vmem_shared>> -> memref<40000xf32, #tpu.memory_space<vmem_shared>>
    tpu.wait_indirect_dma semaphore(%arg8 : memref<!tpu.dma_semaphore, #tpu.memory_space<semaphore_mem>>) src(%dma_wait3A_6 : memref<40000xf32, #tpu.memory_space<vmem_shared>>) dst(%arg6 : memref<20480xf32, #tpu.memory_space<vmem>>)
    "tpu.region"() ({
      %run_scoped3A = tpu.sem_alloc : memref<!tpu.dma_semaphore, #tpu.memory_space<semaphore_mem>>
      %dma_start3A_7 = tpu.memref_slice %arg4[%mul3A_2] : memref<655360xf32, #tpu.memory_space<hbm>> -> memref<20480xf32, #tpu.memory_space<hbm>>
      %dma_start3A_8 = tpu.memref_slice %arg4[%mul3A_2] : memref<655360xf32, #tpu.memory_space<hbm>> -> memref<20480xf32, #tpu.memory_space<hbm>>
      tpu.enqueue_dma source(%arg6 : memref<20480xf32, #tpu.memory_space<vmem>>) target(%dma_start3A_8 : memref<20480xf32, #tpu.memory_space<hbm>>) target_semaphore(%run_scoped3A : memref<!tpu.dma_semaphore, #tpu.memory_space<semaphore_mem>>)
      %dma_wait3A_9 = tpu.memref_slice %arg4[%mul3A_2] : memref<655360xf32, #tpu.memory_space<hbm>> -> memref<20480xf32, #tpu.memory_space<hbm>>
      %dma_wait3A_10 = tpu.memref_slice %arg4[%mul3A_2] : memref<655360xf32, #tpu.memory_space<hbm>> -> memref<20480xf32, #tpu.memory_space<hbm>>
      tpu.wait_dma2 semaphore(%run_scoped3A : memref<!tpu.dma_semaphore, #tpu.memory_space<semaphore_mem>>) src(%arg6 : memref<20480xf32, #tpu.memory_space<vmem>>) dst(%dma_wait3A_10 : memref<20480xf32, #tpu.memory_space<hbm>>)
      tpu.yield
    }) : () -> ()
    return
  }
}

#map = affine_map<(d0, d1) -> (0)>
#map1 = affine_map<(d0, d1) -> (0, 0)>
module attributes {stable_mosaic.version = 14 : i64} {
  func.func @_scatter_body(%arg0: i32, %arg1: i32, %arg2: memref<655360xf32, #tpu.memory_space<hbm>>, %arg3: memref<655360xi32, #tpu.memory_space<hbm>>, %arg4: memref<2x40960xf32, #tpu.memory_space<hbm>>, %arg5: memref<20480xi32, #tpu.memory_space<vmem>>, %arg6: memref<20480xf32, #tpu.memory_space<vmem>>, %arg7: memref<2560xf32, #tpu.memory_space<vmem>>, %arg8: memref<40960xf32, #tpu.memory_space<vmem_shared>>, %arg9: memref<!tpu.dma_semaphore, #tpu.memory_space<semaphore_mem>>) attributes {dimension_semantics = [#tpu.dimension_semantics<core_parallel>, #tpu.dimension_semantics<subcore_parallel>], iteration_bounds = array<i64: 2, 16>, scalar_prefetch = 0 : i64, scratch_operands = 5 : i64, tpu.core_type = #tpu.core_type<sc_vector_subcore>, window_params = [{transform_indices = #map}, {transform_indices = #map}, {transform_indices = #map1}]} {
    %mul3A = arith.constant 2 : i32
    %mul3A_0 = arith.muli %arg1, %mul3A : i32
    %add3A = arith.addi %mul3A_0, %arg0 : i32
    %mul3A_1 = arith.constant 20480 : i32
    %mul3A_2 = arith.muli %add3A, %mul3A_1 : i32
    %scan3A = arith.constant 0 : i32
    %scan3A_3 = arith.constant 0 : i32
    %scan3A_4 = arith.constant 160 : i32
    %scan3A_5 = arith.addi %scan3A_3, %scan3A_4 : i32
    %scan3A_6 = arith.constant 1 : i32
    scf.for %scan3A_15 = %scan3A_3 to %scan3A_5 step %scan3A_6  : i32 {
      %broadcast_in_dim3A = arith.constant 0.000000e+00 : f32
      %broadcast_in_dim3A_16 = vector.broadcast %broadcast_in_dim3A : f32 to vector<16xf32>
      %mul3A_17 = arith.constant 16 : i32
      %mul3A_18 = arith.muli %scan3A_15, %mul3A_17 : i32
      %swap3A = arith.index_cast %mul3A_18 : i32 to index
      %swap3A_19 = tpu.vector_load %arg7[%swap3A] {strides = array<i32>} : memref<2560xf32, #tpu.memory_space<vmem>>, vector<16xf32>,
      %swap3A_20 = vector.shape_cast %swap3A_19 : vector<16xf32> to vector<16xf32>
      %swap3A_21 = vector.shape_cast %broadcast_in_dim3A_16 : vector<16xf32> to vector<16xf32>
      tpu.vector_store %arg7[%swap3A], %swap3A_21 {strides = array<i32>} : memref<2560xf32, #tpu.memory_space<vmem>>, vector<16xf32>,
    }
    %scan3A_7 = arith.constant 160 : i32
    %mul3A_8 = arith.constant 2560 : i32
    %mul3A_9 = arith.muli %arg1, %mul3A_8 : i32
    "tpu.region"() ({
      %run_scoped3A = tpu.sem_alloc : memref<!tpu.dma_semaphore, #tpu.memory_space<semaphore_mem>>
      %dma_start3A = tpu.memref_slice %arg8[%mul3A_9] : memref<40960xf32, #tpu.memory_space<vmem_shared>> -> memref<2560xf32, #tpu.memory_space<vmem_shared>>
      %dma_start3A_15 = tpu.memref_slice %arg8[%mul3A_9] : memref<40960xf32, #tpu.memory_space<vmem_shared>> -> memref<2560xf32, #tpu.memory_space<vmem_shared>>
      tpu.enqueue_dma source(%arg7 : memref<2560xf32, #tpu.memory_space<vmem>>) target(%dma_start3A_15 : memref<2560xf32, #tpu.memory_space<vmem_shared>>) target_semaphore(%run_scoped3A : memref<!tpu.dma_semaphore, #tpu.memory_space<semaphore_mem>>)
      %dma_wait3A = tpu.memref_slice %arg8[%mul3A_9] : memref<40960xf32, #tpu.memory_space<vmem_shared>> -> memref<2560xf32, #tpu.memory_space<vmem_shared>>
      %dma_wait3A_16 = tpu.memref_slice %arg8[%mul3A_9] : memref<40960xf32, #tpu.memory_space<vmem_shared>> -> memref<2560xf32, #tpu.memory_space<vmem_shared>>
      tpu.wait_dma2 semaphore(%run_scoped3A : memref<!tpu.dma_semaphore, #tpu.memory_space<semaphore_mem>>) src(%arg7 : memref<2560xf32, #tpu.memory_space<vmem>>) dst(%dma_wait3A_16 : memref<2560xf32, #tpu.memory_space<vmem_shared>>)
      tpu.yield
    }) : () -> ()
    "tpu.region"() ({
      %run_scoped3A = tpu.sem_alloc : memref<!tpu.dma_semaphore, #tpu.memory_space<semaphore_mem>>
      %dma_start3A = tpu.memref_slice %arg3[%mul3A_2] : memref<655360xi32, #tpu.memory_space<hbm>> -> memref<20480xi32, #tpu.memory_space<hbm>>
      %dma_start3A_15 = tpu.memref_slice %arg3[%mul3A_2] : memref<655360xi32, #tpu.memory_space<hbm>> -> memref<20480xi32, #tpu.memory_space<hbm>>
      tpu.enqueue_dma source(%dma_start3A_15 : memref<20480xi32, #tpu.memory_space<hbm>>) target(%arg5 : memref<20480xi32, #tpu.memory_space<vmem>>) target_semaphore(%run_scoped3A : memref<!tpu.dma_semaphore, #tpu.memory_space<semaphore_mem>>)
      %dma_wait3A = tpu.memref_slice %arg3[%mul3A_2] : memref<655360xi32, #tpu.memory_space<hbm>> -> memref<20480xi32, #tpu.memory_space<hbm>>
      %dma_wait3A_16 = tpu.memref_slice %arg3[%mul3A_2] : memref<655360xi32, #tpu.memory_space<hbm>> -> memref<20480xi32, #tpu.memory_space<hbm>>
      tpu.wait_dma2 semaphore(%run_scoped3A : memref<!tpu.dma_semaphore, #tpu.memory_space<semaphore_mem>>) src(%dma_wait3A_16 : memref<20480xi32, #tpu.memory_space<hbm>>) dst(%arg5 : memref<20480xi32, #tpu.memory_space<vmem>>)
      tpu.yield
    }) : () -> ()
    "tpu.region"() ({
      %run_scoped3A = tpu.sem_alloc : memref<!tpu.dma_semaphore, #tpu.memory_space<semaphore_mem>>
      %dma_start3A = tpu.memref_slice %arg2[%mul3A_2] : memref<655360xf32, #tpu.memory_space<hbm>> -> memref<20480xf32, #tpu.memory_space<hbm>>
      %dma_start3A_15 = tpu.memref_slice %arg2[%mul3A_2] : memref<655360xf32, #tpu.memory_space<hbm>> -> memref<20480xf32, #tpu.memory_space<hbm>>
      tpu.enqueue_dma source(%dma_start3A_15 : memref<20480xf32, #tpu.memory_space<hbm>>) target(%arg6 : memref<20480xf32, #tpu.memory_space<vmem>>) target_semaphore(%run_scoped3A : memref<!tpu.dma_semaphore, #tpu.memory_space<semaphore_mem>>)
      %dma_wait3A = tpu.memref_slice %arg2[%mul3A_2] : memref<655360xf32, #tpu.memory_space<hbm>> -> memref<20480xf32, #tpu.memory_space<hbm>>
      %dma_wait3A_16 = tpu.memref_slice %arg2[%mul3A_2] : memref<655360xf32, #tpu.memory_space<hbm>> -> memref<20480xf32, #tpu.memory_space<hbm>>
      tpu.wait_dma2 semaphore(%run_scoped3A : memref<!tpu.dma_semaphore, #tpu.memory_space<semaphore_mem>>) src(%dma_wait3A_16 : memref<20480xf32, #tpu.memory_space<hbm>>) dst(%arg6 : memref<20480xf32, #tpu.memory_space<vmem>>)
      tpu.yield
    }) : () -> ()
    %barrier3A = arith.constant 0 : index
    tpu.barrier barrier_id(%barrier3A)
    "tpu.region"() ({
      %run_scoped3A = tpu.sem_alloc : memref<!tpu.dma_semaphore, #tpu.memory_space<semaphore_mem>>
      %dma_start3A = arith.constant 0 : i32
      %dma_start3A_15 = tpu.memref_slice %arg8[%dma_start3A] : memref<40960xf32, #tpu.memory_space<vmem_shared>> -> memref<40960xf32, #tpu.memory_space<vmem_shared>>
      tpu.enqueue_indirect_dma source(%arg6 : memref<20480xf32, #tpu.memory_space<vmem>>) target(%dma_start3A_15 : memref<40960xf32, #tpu.memory_space<vmem_shared>>) offsets(%arg5 : memref<20480xi32, #tpu.memory_space<vmem>>) semaphore(%run_scoped3A : memref<!tpu.dma_semaphore, #tpu.memory_space<semaphore_mem>>) {add = true}
      %dma_wait3A = arith.constant 0 : i32
      %dma_wait3A_16 = tpu.memref_slice %arg8[%dma_wait3A] : memref<40960xf32, #tpu.memory_space<vmem_shared>> -> memref<40960xf32, #tpu.memory_space<vmem_shared>>
      tpu.wait_indirect_dma semaphore(%run_scoped3A : memref<!tpu.dma_semaphore, #tpu.memory_space<semaphore_mem>>) src(%arg6 : memref<20480xf32, #tpu.memory_space<vmem>>) dst(%dma_wait3A_16 : memref<40960xf32, #tpu.memory_space<vmem_shared>>)
      tpu.yield
    }) : () -> ()
    %barrier3A_10 = arith.constant 0 : index
    tpu.barrier barrier_id(%barrier3A_10)
    %mul3A_11 = arith.constant 2560 : i32
    %mul3A_12 = arith.muli %arg1, %mul3A_11 : i32
    %mul3A_13 = arith.constant 2560 : i32
    %mul3A_14 = arith.muli %arg1, %mul3A_13 : i32
    "tpu.region"() ({
      %run_scoped3A = tpu.sem_alloc : memref<!tpu.dma_semaphore, #tpu.memory_space<semaphore_mem>>
      %dma_start3A = tpu.memref_slice %arg4[%arg0, %mul3A_14] : memref<2x40960xf32, #tpu.memory_space<hbm>> -> memref<1x2560xf32, #tpu.memory_space<hbm>>
      %dma_start3A_15 = tpu.memref_squeeze %dma_start3A : memref<1x2560xf32, #tpu.memory_space<hbm>> -> memref<2560xf32, #tpu.memory_space<hbm>>
      %dma_start3A_16 = tpu.memref_slice %arg8[%mul3A_12] : memref<40960xf32, #tpu.memory_space<vmem_shared>> -> memref<2560xf32, #tpu.memory_space<vmem_shared>>
      tpu.enqueue_dma source(%dma_start3A_16 : memref<2560xf32, #tpu.memory_space<vmem_shared>>) target(%dma_start3A_15 : memref<2560xf32, #tpu.memory_space<hbm>>) target_semaphore(%run_scoped3A : memref<!tpu.dma_semaphore, #tpu.memory_space<semaphore_mem>>)
      %dma_wait3A = tpu.memref_slice %arg4[%arg0, %mul3A_14] : memref<2x40960xf32, #tpu.memory_space<hbm>> -> memref<1x2560xf32, #tpu.memory_space<hbm>>
      %dma_wait3A_17 = tpu.memref_squeeze %dma_wait3A : memref<1x2560xf32, #tpu.memory_space<hbm>> -> memref<2560xf32, #tpu.memory_space<hbm>>
      %dma_wait3A_18 = tpu.memref_slice %arg8[%mul3A_12] : memref<40960xf32, #tpu.memory_space<vmem_shared>> -> memref<2560xf32, #tpu.memory_space<vmem_shared>>
      tpu.wait_dma2 semaphore(%run_scoped3A : memref<!tpu.dma_semaphore, #tpu.memory_space<semaphore_mem>>) src(%dma_wait3A_18 : memref<2560xf32, #tpu.memory_space<vmem_shared>>) dst(%dma_wait3A_17 : memref<2560xf32, #tpu.memory_space<hbm>>)
      tpu.yield
    }) : () -> ()
    return
  }
}

#map = affine_map<(d0, d1) -> (0)>
module attributes {stable_mosaic.version = 14 : i64} {
  func.func @_gather_body(%arg0: i32, %arg1: i32, %arg2: memref<40000xf32, #tpu.memory_space<hbm>>, %arg3: memref<655360xi32, #tpu.memory_space<hbm>>, %arg4: memref<655360xf32, #tpu.memory_space<hbm>>, %arg5: memref<20480xi32, #tpu.memory_space<vmem>>, %arg6: memref<20480xf32, #tpu.memory_space<vmem>>, %arg7: memref<40000xf32, #tpu.memory_space<vmem_shared>>, %arg8: memref<!tpu.dma_semaphore, #tpu.memory_space<semaphore_mem>>) attributes {dimension_semantics = [#tpu.dimension_semantics<core_parallel>, #tpu.dimension_semantics<subcore_parallel>], iteration_bounds = array<i64: 2, 16>, scalar_prefetch = 0 : i64, scratch_operands = 4 : i64, tpu.core_type = #tpu.core_type<sc_vector_subcore>, window_params = [{transform_indices = #map}, {transform_indices = #map}, {transform_indices = #map}]} {
    %mul3A = arith.constant 2 : i32
    %mul3A_0 = arith.muli %arg1, %mul3A : i32
    %add3A = arith.addi %mul3A_0, %arg0 : i32
    %mul3A_1 = arith.constant 20480 : i32
    %mul3A_2 = arith.muli %add3A, %mul3A_1 : i32
    %eq3A = arith.constant 0 : i32
    %eq3A_3 = arith.cmpi eq, %arg1, %eq3A : i32
    %convert_element_type3A = arith.extui %eq3A_3 : i1 to i32
    %cond3A = arith.constant 0 : i32
    %cond3A_4 = arith.cmpi ne, %convert_element_type3A, %cond3A : i32
    scf.if %cond3A_4 {
      "tpu.region"() ({
        %run_scoped3A = tpu.sem_alloc : memref<!tpu.dma_semaphore, #tpu.memory_space<semaphore_mem>>
        tpu.enqueue_dma source(%arg2 : memref<40000xf32, #tpu.memory_space<hbm>>) target(%arg7 : memref<40000xf32, #tpu.memory_space<vmem_shared>>) target_semaphore(%run_scoped3A : memref<!tpu.dma_semaphore, #tpu.memory_space<semaphore_mem>>)
        tpu.wait_dma2 semaphore(%run_scoped3A : memref<!tpu.dma_semaphore, #tpu.memory_space<semaphore_mem>>) src(%arg2 : memref<40000xf32, #tpu.memory_space<hbm>>) dst(%arg7 : memref<40000xf32, #tpu.memory_space<vmem_shared>>)
        tpu.yield
      }) : () -> ()
    } else {
    }
    "tpu.region"() ({
      %run_scoped3A = tpu.sem_alloc : memref<!tpu.dma_semaphore, #tpu.memory_space<semaphore_mem>>
      %dma_start3A_7 = tpu.memref_slice %arg3[%mul3A_2] : memref<655360xi32, #tpu.memory_space<hbm>> -> memref<20480xi32, #tpu.memory_space<hbm>>
      %dma_start3A_8 = tpu.memref_slice %arg3[%mul3A_2] : memref<655360xi32, #tpu.memory_space<hbm>> -> memref<20480xi32, #tpu.memory_space<hbm>>
      tpu.enqueue_dma source(%dma_start3A_8 : memref<20480xi32, #tpu.memory_space<hbm>>) target(%arg5 : memref<20480xi32, #tpu.memory_space<vmem>>) target_semaphore(%run_scoped3A : memref<!tpu.dma_semaphore, #tpu.memory_space<semaphore_mem>>)
      %dma_wait3A_9 = tpu.memref_slice %arg3[%mul3A_2] : memref<655360xi32, #tpu.memory_space<hbm>> -> memref<20480xi32, #tpu.memory_space<hbm>>
      %dma_wait3A_10 = tpu.memref_slice %arg3[%mul3A_2] : memref<655360xi32, #tpu.memory_space<hbm>> -> memref<20480xi32, #tpu.memory_space<hbm>>
      tpu.wait_dma2 semaphore(%run_scoped3A : memref<!tpu.dma_semaphore, #tpu.memory_space<semaphore_mem>>) src(%dma_wait3A_10 : memref<20480xi32, #tpu.memory_space<hbm>>) dst(%arg5 : memref<20480xi32, #tpu.memory_space<vmem>>)
      tpu.yield
    }) : () -> ()
    %barrier3A = arith.constant 0 : index
    tpu.barrier barrier_id(%barrier3A)
    %dma_start3A = arith.constant 0 : i32
    %dma_start3A_5 = tpu.memref_slice %arg7[%dma_start3A] : memref<40000xf32, #tpu.memory_space<vmem_shared>> -> memref<40000xf32, #tpu.memory_space<vmem_shared>>
    tpu.enqueue_indirect_dma source(%dma_start3A_5 : memref<40000xf32, #tpu.memory_space<vmem_shared>>) target(%arg6 : memref<20480xf32, #tpu.memory_space<vmem>>) offsets(%arg5 : memref<20480xi32, #tpu.memory_space<vmem>>) semaphore(%arg8 : memref<!tpu.dma_semaphore, #tpu.memory_space<semaphore_mem>>)
    %dma_wait3A = arith.constant 0 : i32
    %dma_wait3A_6 = tpu.memref_slice %arg7[%dma_wait3A] : memref<40000xf32, #tpu.memory_space<vmem_shared>> -> memref<40000xf32, #tpu.memory_space<vmem_shared>>
    tpu.wait_indirect_dma semaphore(%arg8 : memref<!tpu.dma_semaphore, #tpu.memory_space<semaphore_mem>>) src(%dma_wait3A_6 : memref<40000xf32, #tpu.memory_space<vmem_shared>>) dst(%arg6 : memref<20480xf32, #tpu.memory_space<vmem>>)
    "tpu.region"() ({
      %run_scoped3A = tpu.sem_alloc : memref<!tpu.dma_semaphore, #tpu.memory_space<semaphore_mem>>
      %dma_start3A_7 = tpu.memref_slice %arg4[%mul3A_2] : memref<655360xf32, #tpu.memory_space<hbm>> -> memref<20480xf32, #tpu.memory_space<hbm>>
      %dma_start3A_8 = tpu.memref_slice %arg4[%mul3A_2] : memref<655360xf32, #tpu.memory_space<hbm>> -> memref<20480xf32, #tpu.memory_space<hbm>>
      tpu.enqueue_dma source(%arg6 : memref<20480xf32, #tpu.memory_space<vmem>>) target(%dma_start3A_8 : memref<20480xf32, #tpu.memory_space<hbm>>) target_semaphore(%run_scoped3A : memref<!tpu.dma_semaphore, #tpu.memory_space<semaphore_mem>>)
      %dma_wait3A_9 = tpu.memref_slice %arg4[%mul3A_2] : memref<655360xf32, #tpu.memory_space<hbm>> -> memref<20480xf32, #tpu.memory_space<hbm>>
      %dma_wait3A_10 = tpu.memref_slice %arg4[%mul3A_2] : memref<655360xf32, #tpu.memory_space<hbm>> -> memref<20480xf32, #tpu.memory_space<hbm>>
      tpu.wait_dma2 semaphore(%run_scoped3A : memref<!tpu.dma_semaphore, #tpu.memory_space<semaphore_mem>>) src(%arg6 : memref<20480xf32, #tpu.memory_space<vmem>>) dst(%dma_wait3A_10 : memref<20480xf32, #tpu.memory_space<hbm>>)
      tpu.yield
    }) : () -> ()
    return
  }
}

#map = affine_map<(d0, d1) -> (0)>
#map1 = affine_map<(d0, d1) -> (0, 0)>
module attributes {stable_mosaic.version = 14 : i64} {
  func.func @_scatter_body(%arg0: i32, %arg1: i32, %arg2: memref<655360xf32, #tpu.memory_space<hbm>>, %arg3: memref<655360xi32, #tpu.memory_space<hbm>>, %arg4: memref<2x40960xf32, #tpu.memory_space<hbm>>, %arg5: memref<20480xi32, #tpu.memory_space<vmem>>, %arg6: memref<20480xf32, #tpu.memory_space<vmem>>, %arg7: memref<2560xf32, #tpu.memory_space<vmem>>, %arg8: memref<40960xf32, #tpu.memory_space<vmem_shared>>, %arg9: memref<!tpu.dma_semaphore, #tpu.memory_space<semaphore_mem>>) attributes {dimension_semantics = [#tpu.dimension_semantics<core_parallel>, #tpu.dimension_semantics<subcore_parallel>], iteration_bounds = array<i64: 2, 16>, scalar_prefetch = 0 : i64, scratch_operands = 5 : i64, tpu.core_type = #tpu.core_type<sc_vector_subcore>, window_params = [{transform_indices = #map}, {transform_indices = #map}, {transform_indices = #map1}]} {
    %mul3A = arith.constant 2 : i32
    %mul3A_0 = arith.muli %arg1, %mul3A : i32
    %add3A = arith.addi %mul3A_0, %arg0 : i32
    %mul3A_1 = arith.constant 20480 : i32
    %mul3A_2 = arith.muli %add3A, %mul3A_1 : i32
    %scan3A = arith.constant 0 : i32
    %scan3A_3 = arith.constant 0 : i32
    %scan3A_4 = arith.constant 160 : i32
    %scan3A_5 = arith.addi %scan3A_3, %scan3A_4 : i32
    %scan3A_6 = arith.constant 1 : i32
    scf.for %scan3A_15 = %scan3A_3 to %scan3A_5 step %scan3A_6  : i32 {
      %broadcast_in_dim3A = arith.constant 0.000000e+00 : f32
      %broadcast_in_dim3A_16 = vector.broadcast %broadcast_in_dim3A : f32 to vector<16xf32>
      %mul3A_17 = arith.constant 16 : i32
      %mul3A_18 = arith.muli %scan3A_15, %mul3A_17 : i32
      %swap3A = arith.index_cast %mul3A_18 : i32 to index
      %swap3A_19 = tpu.vector_load %arg7[%swap3A] {strides = array<i32>} : memref<2560xf32, #tpu.memory_space<vmem>>, vector<16xf32>,
      %swap3A_20 = vector.shape_cast %swap3A_19 : vector<16xf32> to vector<16xf32>
      %swap3A_21 = vector.shape_cast %broadcast_in_dim3A_16 : vector<16xf32> to vector<16xf32>
      tpu.vector_store %arg7[%swap3A], %swap3A_21 {strides = array<i32>} : memref<2560xf32, #tpu.memory_space<vmem>>, vector<16xf32>,
    }
    %scan3A_7 = arith.constant 160 : i32
    %mul3A_8 = arith.constant 2560 : i32
    %mul3A_9 = arith.muli %arg1, %mul3A_8 : i32
    "tpu.region"() ({
      %run_scoped3A = tpu.sem_alloc : memref<!tpu.dma_semaphore, #tpu.memory_space<semaphore_mem>>
      %dma_start3A = tpu.memref_slice %arg8[%mul3A_9] : memref<40960xf32, #tpu.memory_space<vmem_shared>> -> memref<2560xf32, #tpu.memory_space<vmem_shared>>
      %dma_start3A_15 = tpu.memref_slice %arg8[%mul3A_9] : memref<40960xf32, #tpu.memory_space<vmem_shared>> -> memref<2560xf32, #tpu.memory_space<vmem_shared>>
      tpu.enqueue_dma source(%arg7 : memref<2560xf32, #tpu.memory_space<vmem>>) target(%dma_start3A_15 : memref<2560xf32, #tpu.memory_space<vmem_shared>>) target_semaphore(%run_scoped3A : memref<!tpu.dma_semaphore, #tpu.memory_space<semaphore_mem>>)
      %dma_wait3A = tpu.memref_slice %arg8[%mul3A_9] : memref<40960xf32, #tpu.memory_space<vmem_shared>> -> memref<2560xf32, #tpu.memory_space<vmem_shared>>
      %dma_wait3A_16 = tpu.memref_slice %arg8[%mul3A_9] : memref<40960xf32, #tpu.memory_space<vmem_shared>> -> memref<2560xf32, #tpu.memory_space<vmem_shared>>
      tpu.wait_dma2 semaphore(%run_scoped3A : memref<!tpu.dma_semaphore, #tpu.memory_space<semaphore_mem>>) src(%arg7 : memref<2560xf32, #tpu.memory_space<vmem>>) dst(%dma_wait3A_16 : memref<2560xf32, #tpu.memory_space<vmem_shared>>)
      tpu.yield
    }) : () -> ()
    "tpu.region"() ({
      %run_scoped3A = tpu.sem_alloc : memref<!tpu.dma_semaphore, #tpu.memory_space<semaphore_mem>>
      %dma_start3A = tpu.memref_slice %arg3[%mul3A_2] : memref<655360xi32, #tpu.memory_space<hbm>> -> memref<20480xi32, #tpu.memory_space<hbm>>
      %dma_start3A_15 = tpu.memref_slice %arg3[%mul3A_2] : memref<655360xi32, #tpu.memory_space<hbm>> -> memref<20480xi32, #tpu.memory_space<hbm>>
      tpu.enqueue_dma source(%dma_start3A_15 : memref<20480xi32, #tpu.memory_space<hbm>>) target(%arg5 : memref<20480xi32, #tpu.memory_space<vmem>>) target_semaphore(%run_scoped3A : memref<!tpu.dma_semaphore, #tpu.memory_space<semaphore_mem>>)
      %dma_wait3A = tpu.memref_slice %arg3[%mul3A_2] : memref<655360xi32, #tpu.memory_space<hbm>> -> memref<20480xi32, #tpu.memory_space<hbm>>
      %dma_wait3A_16 = tpu.memref_slice %arg3[%mul3A_2] : memref<655360xi32, #tpu.memory_space<hbm>> -> memref<20480xi32, #tpu.memory_space<hbm>>
      tpu.wait_dma2 semaphore(%run_scoped3A : memref<!tpu.dma_semaphore, #tpu.memory_space<semaphore_mem>>) src(%dma_wait3A_16 : memref<20480xi32, #tpu.memory_space<hbm>>) dst(%arg5 : memref<20480xi32, #tpu.memory_space<vmem>>)
      tpu.yield
    }) : () -> ()
    "tpu.region"() ({
      %run_scoped3A = tpu.sem_alloc : memref<!tpu.dma_semaphore, #tpu.memory_space<semaphore_mem>>
      %dma_start3A = tpu.memref_slice %arg2[%mul3A_2] : memref<655360xf32, #tpu.memory_space<hbm>> -> memref<20480xf32, #tpu.memory_space<hbm>>
      %dma_start3A_15 = tpu.memref_slice %arg2[%mul3A_2] : memref<655360xf32, #tpu.memory_space<hbm>> -> memref<20480xf32, #tpu.memory_space<hbm>>
      tpu.enqueue_dma source(%dma_start3A_15 : memref<20480xf32, #tpu.memory_space<hbm>>) target(%arg6 : memref<20480xf32, #tpu.memory_space<vmem>>) target_semaphore(%run_scoped3A : memref<!tpu.dma_semaphore, #tpu.memory_space<semaphore_mem>>)
      %dma_wait3A = tpu.memref_slice %arg2[%mul3A_2] : memref<655360xf32, #tpu.memory_space<hbm>> -> memref<20480xf32, #tpu.memory_space<hbm>>
      %dma_wait3A_16 = tpu.memref_slice %arg2[%mul3A_2] : memref<655360xf32, #tpu.memory_space<hbm>> -> memref<20480xf32, #tpu.memory_space<hbm>>
      tpu.wait_dma2 semaphore(%run_scoped3A : memref<!tpu.dma_semaphore, #tpu.memory_space<semaphore_mem>>) src(%dma_wait3A_16 : memref<20480xf32, #tpu.memory_space<hbm>>) dst(%arg6 : memref<20480xf32, #tpu.memory_space<vmem>>)
      tpu.yield
    }) : () -> ()
    %barrier3A = arith.constant 0 : index
    tpu.barrier barrier_id(%barrier3A)
    "tpu.region"() ({
      %run_scoped3A = tpu.sem_alloc : memref<!tpu.dma_semaphore, #tpu.memory_space<semaphore_mem>>
      %dma_start3A = arith.constant 0 : i32
      %dma_start3A_15 = tpu.memref_slice %arg8[%dma_start3A] : memref<40960xf32, #tpu.memory_space<vmem_shared>> -> memref<40960xf32, #tpu.memory_space<vmem_shared>>
      tpu.enqueue_indirect_dma source(%arg6 : memref<20480xf32, #tpu.memory_space<vmem>>) target(%dma_start3A_15 : memref<40960xf32, #tpu.memory_space<vmem_shared>>) offsets(%arg5 : memref<20480xi32, #tpu.memory_space<vmem>>) semaphore(%run_scoped3A : memref<!tpu.dma_semaphore, #tpu.memory_space<semaphore_mem>>) {add = true}
      %dma_wait3A = arith.constant 0 : i32
      %dma_wait3A_16 = tpu.memref_slice %arg8[%dma_wait3A] : memref<40960xf32, #tpu.memory_space<vmem_shared>> -> memref<40960xf32, #tpu.memory_space<vmem_shared>>
      tpu.wait_indirect_dma semaphore(%run_scoped3A : memref<!tpu.dma_semaphore, #tpu.memory_space<semaphore_mem>>) src(%arg6 : memref<20480xf32, #tpu.memory_space<vmem>>) dst(%dma_wait3A_16 : memref<40960xf32, #tpu.memory_space<vmem_shared>>)
      tpu.yield
    }) : () -> ()
    %barrier3A_10 = arith.constant 0 : index
    tpu.barrier barrier_id(%barrier3A_10)
    %mul3A_11 = arith.constant 2560 : i32
    %mul3A_12 = arith.muli %arg1, %mul3A_11 : i32
    %mul3A_13 = arith.constant 2560 : i32
    %mul3A_14 = arith.muli %arg1, %mul3A_13 : i32
    "tpu.region"() ({
      %run_scoped3A = tpu.sem_alloc : memref<!tpu.dma_semaphore, #tpu.memory_space<semaphore_mem>>
      %dma_start3A = tpu.memref_slice %arg4[%arg0, %mul3A_14] : memref<2x40960xf32, #tpu.memory_space<hbm>> -> memref<1x2560xf32, #tpu.memory_space<hbm>>
      %dma_start3A_15 = tpu.memref_squeeze %dma_start3A : memref<1x2560xf32, #tpu.memory_space<hbm>> -> memref<2560xf32, #tpu.memory_space<hbm>>
      %dma_start3A_16 = tpu.memref_slice %arg8[%mul3A_12] : memref<40960xf32, #tpu.memory_space<vmem_shared>> -> memref<2560xf32, #tpu.memory_space<vmem_shared>>
      tpu.enqueue_dma source(%dma_start3A_16 : memref<2560xf32, #tpu.memory_space<vmem_shared>>) target(%dma_start3A_15 : memref<2560xf32, #tpu.memory_space<hbm>>) target_semaphore(%run_scoped3A : memref<!tpu.dma_semaphore, #tpu.memory_space<semaphore_mem>>)
      %dma_wait3A = tpu.memref_slice %arg4[%arg0, %mul3A_14] : memref<2x40960xf32, #tpu.memory_space<hbm>> -> memref<1x2560xf32, #tpu.memory_space<hbm>>
      %dma_wait3A_17 = tpu.memref_squeeze %dma_wait3A : memref<1x2560xf32, #tpu.memory_space<hbm>> -> memref<2560xf32, #tpu.memory_space<hbm>>
      %dma_wait3A_18 = tpu.memref_slice %arg8[%mul3A_12] : memref<40960xf32, #tpu.memory_space<vmem_shared>> -> memref<2560xf32, #tpu.memory_space<vmem_shared>>
      tpu.wait_dma2 semaphore(%run_scoped3A : memref<!tpu.dma_semaphore, #tpu.memory_space<semaphore_mem>>) src(%dma_wait3A_18 : memref<2560xf32, #tpu.memory_space<vmem_shared>>) dst(%dma_wait3A_17 : memref<2560xf32, #tpu.memory_space<hbm>>)
      tpu.yield
    }) : () -> ()
    return
  }
}

module attributes {stable_mosaic.version = 14 : i64} {
  func.func @_dense_body(%arg0: i32, %arg1: memref<1024x128xf32, #tpu.memory_space<vmem>>, %arg2: memref<8x96xf32, #tpu.memory_space<vmem>>, %arg3: memref<8x128xf32, #tpu.memory_space<vmem>>, %arg4: memref<8x128xf32, #tpu.memory_space<vmem>>, %arg5: memref<128x256xf32, #tpu.memory_space<vmem>>, %arg6: memref<1x256xf32, #tpu.memory_space<vmem>>, %arg7: memref<256x128xf32, #tpu.memory_space<vmem>>, %arg8: memref<1x128xf32, #tpu.memory_space<vmem>>, %arg9: memref<128x64xf32, #tpu.memory_space<vmem>>, %arg10: memref<1x64xf32, #tpu.memory_space<vmem>>, %arg11: memref<64x32xf32, #tpu.memory_space<vmem>>, %arg12: memref<1x32xf32, #tpu.memory_space<vmem>>, %arg13: memref<32x16xf32, #tpu.memory_space<vmem>>, %arg14: memref<1x16xf32, #tpu.memory_space<vmem>>, %arg15: memref<1x16xf32, #tpu.memory_space<vmem>>, %arg16: memref<1x8xf32, #tpu.memory_space<vmem>>, %arg17: memref<1024x128xf32, #tpu.memory_space<vmem>>, %arg18: memref<1x128xf32, #tpu.memory_space<vmem>>) attributes {dimension_semantics = [#tpu.dimension_semantics<arbitrary>], iteration_bounds = array<i64: 5>, scalar_prefetch = 0 : i64, scratch_operands = 0 : i64, tpu.core_type = #tpu.core_type<tc>, window_params = [{transform_indices = @transform_0, window_bounds = array<i64: 1024, 128>}, {pipeline_mode = #tpu.pipeline_mode<synchronous>, transform_indices = @transform_1, window_bounds = array<i64: 8, 96>}, {pipeline_mode = #tpu.pipeline_mode<synchronous>, transform_indices = @transform_2, window_bounds = array<i64: 8, 128>}, {pipeline_mode = #tpu.pipeline_mode<synchronous>, transform_indices = @transform_3, window_bounds = array<i64: 8, 128>}, {pipeline_mode = #tpu.pipeline_mode<synchronous>, transform_indices = @transform_4, window_bounds = array<i64: 128, 256>}, {pipeline_mode = #tpu.pipeline_mode<synchronous>, transform_indices = @transform_5, window_bounds = array<i64: 1, 256>}, {pipeline_mode = #tpu.pipeline_mode<synchronous>, transform_indices = @transform_6, window_bounds = array<i64: 256, 128>}, {pipeline_mode = #tpu.pipeline_mode<synchronous>, transform_indices = @transform_7, window_bounds = array<i64: 1, 128>}, {pipeline_mode = #tpu.pipeline_mode<synchronous>, transform_indices = @transform_8, window_bounds = array<i64: 128, 64>}, {pipeline_mode = #tpu.pipeline_mode<synchronous>, transform_indices = @transform_9, window_bounds = array<i64: 1, 64>}, {pipeline_mode = #tpu.pipeline_mode<synchronous>, transform_indices = @transform_10, window_bounds = array<i64: 64, 32>}, {pipeline_mode = #tpu.pipeline_mode<synchronous>, transform_indices = @transform_11, window_bounds = array<i64: 1, 32>}, {pipeline_mode = #tpu.pipeline_mode<synchronous>, transform_indices = @transform_12, window_bounds = array<i64: 32, 16>}, {pipeline_mode = #tpu.pipeline_mode<synchronous>, transform_indices = @transform_13, window_bounds = array<i64: 1, 16>}, {pipeline_mode = #tpu.pipeline_mode<synchronous>, transform_indices = @transform_14, window_bounds = array<i64: 1, 16>}, {pipeline_mode = #tpu.pipeline_mode<synchronous>, transform_indices = @transform_15, window_bounds = array<i64: 1, 8>}, {transform_indices = @transform_16, window_bounds = array<i64: 1024, 128>}, {pipeline_mode = #tpu.pipeline_mode<synchronous>, transform_indices = @transform_17, window_bounds = array<i64: 1, 128>}]} {
    %get3A = arith.constant 0 : index
    %get3A_0 = arith.constant 0 : index
    %get3A_1 = vector.load %arg1[%get3A, %get3A_0] : memref<1024x128xf32, #tpu.memory_space<vmem>>, vector<1024x128xf32>
    %slice3A = vector.extract_strided_slice %get3A_1 {offsets = [0, 96], sizes = [1024, 8], strides = [1, 1]} : vector<1024x128xf32> to vector<1024x8xf32>
    %get3A_2 = arith.constant 0 : index
    %get3A_3 = arith.constant 0 : index
    %get3A_4 = vector.load %arg2[%get3A_2, %get3A_3] : memref<8x96xf32, #tpu.memory_space<vmem>>, vector<8x96xf32>
    %dot_general3A = arith.constant dense<0.000000e+00> : vector<1024x96xf32>
    %dot_general3A_5 = tpu.matmul %slice3A, %get3A_4, %dot_general3A {dimension_numbers = #tpu.dot_dimension_numbers<[1], [0], [0], [1], [0, 0, 1, 1], [], []>, precision = #tpu.contract_precision<fp32>, transpose_lhs_hint = false} : vector<1024x8xf32>, vector<8x96xf32>, vector<1024x96xf32> -> vector<1024x96xf32>
    %slice3A_6 = vector.extract_strided_slice %get3A_1 {offsets = [0, 0], sizes = [1024, 96], strides = [1, 1]} : vector<1024x128xf32> to vector<1024x96xf32>
    %sub3A = arith.subf %slice3A_6, %dot_general3A_5 : vector<1024x96xf32>
    %slice3A_7 = vector.extract_strided_slice %sub3A {offsets = [0, 0], sizes = [1024, 32], strides = [1, 1]} : vector<1024x96xf32> to vector<1024x32xf32>
    %slice3A_8 = vector.extract_strided_slice %sub3A {offsets = [0, 32], sizes = [1024, 32], strides = [1, 1]} : vector<1024x96xf32> to vector<1024x32xf32>
    %slice3A_9 = vector.extract_strided_slice %sub3A {offsets = [0, 64], sizes = [1024, 32], strides = [1, 1]} : vector<1024x96xf32> to vector<1024x32xf32>
    %mul3A = arith.mulf %slice3A_7, %slice3A_7 : vector<1024x32xf32>
    %mul3A_10 = arith.mulf %slice3A_8, %slice3A_8 : vector<1024x32xf32>
    %add3A = arith.addf %mul3A, %mul3A_10 : vector<1024x32xf32>
    %mul3A_11 = arith.mulf %slice3A_9, %slice3A_9 : vector<1024x32xf32>
    %add3A_12 = arith.addf %add3A, %mul3A_11 : vector<1024x32xf32>
    %add3A_13 = arith.constant 9.99999997E-7 : f32
    %add3A_14 = vector.broadcast %add3A_13 : f32 to vector<1024x32xf32>
    %add3A_15 = arith.addf %add3A_12, %add3A_14 : vector<1024x32xf32>
    %div3A = arith.constant 1.000000e+00 : f32
    %div3A_16 = vector.broadcast %div3A : f32 to vector<1024x32xf32>
    %div3A_17 = arith.divf %div3A_16, %add3A_15 : vector<1024x32xf32>
    %sqrt3A = math.sqrt %add3A_15 : vector<1024x32xf32>
    %div3A_18 = arith.constant 1.000000e+00 : f32
    %div3A_19 = vector.broadcast %div3A_18 : f32 to vector<1024x32xf32>
    %div3A_20 = arith.divf %div3A_19, %sqrt3A : vector<1024x32xf32>
    %mul3A_21 = arith.mulf %slice3A_7, %div3A_17 : vector<1024x32xf32>
    %mul3A_22 = arith.mulf %slice3A_8, %div3A_17 : vector<1024x32xf32>
    %mul3A_23 = arith.mulf %slice3A_9, %div3A_17 : vector<1024x32xf32>
    %concatenate3A = tpu.concatenate %div3A_20, %mul3A_21, %mul3A_22, %mul3A_23 in 1 : vector<1024x32xf32>, vector<1024x32xf32>, vector<1024x32xf32>, vector<1024x32xf32> -> vector<1024x128xf32>
    %slice3A_24 = vector.extract_strided_slice %get3A_1 {offsets = [0, 99], sizes = [1024, 1], strides = [1, 1]} : vector<1024x128xf32> to vector<1024x1xf32>
    %eq3A = arith.constant 0.000000e+00 : f32
    %eq3A_25 = vector.broadcast %eq3A : f32 to vector<1024x1xf32>
    %eq3A_26 = arith.cmpf oeq, %slice3A_24, %eq3A_25 : vector<1024x1xf32>
    %broadcast_in_dim3A = vector.shape_cast %eq3A_26 : vector<1024x1xi1> to vector<1024x1xi1>
    %broadcast_in_dim3A_27 = vector.broadcast %broadcast_in_dim3A : vector<1024x1xi1> to vector<1024x128xi1>
    %get3A_28 = arith.constant 0 : index
    %get3A_29 = arith.constant 0 : index
    %get3A_30 = vector.load %arg3[%get3A_28, %get3A_29] : memref<8x128xf32, #tpu.memory_space<vmem>>, vector<1x128xf32>
    %broadcast_in_dim3A_31 = vector.shape_cast %get3A_30 : vector<1x128xf32> to vector<1x128xf32>
    %broadcast_in_dim3A_32 = vector.broadcast %broadcast_in_dim3A_31 : vector<1x128xf32> to vector<1024x128xf32>
    %get3A_33 = arith.constant 1 : index
    %get3A_34 = arith.constant 0 : index
    %get3A_35 = vector.load %arg3[%get3A_33, %get3A_34] : memref<8x128xf32, #tpu.memory_space<vmem>>, vector<1x128xf32>
    %broadcast_in_dim3A_36 = vector.shape_cast %get3A_35 : vector<1x128xf32> to vector<1x128xf32>
    %broadcast_in_dim3A_37 = vector.broadcast %broadcast_in_dim3A_36 : vector<1x128xf32> to vector<1024x128xf32>
    %select_n3A = arith.select %broadcast_in_dim3A_27, %broadcast_in_dim3A_32, %broadcast_in_dim3A_37 : vector<1024x128xi1>, vector<1024x128xf32>
    %get3A_38 = arith.constant 0 : index
    %get3A_39 = arith.constant 0 : index
    %get3A_40 = vector.load %arg4[%get3A_38, %get3A_39] : memref<8x128xf32, #tpu.memory_space<vmem>>, vector<1x128xf32>
    %broadcast_in_dim3A_41 = vector.shape_cast %get3A_40 : vector<1x128xf32> to vector<1x128xf32>
    %broadcast_in_dim3A_42 = vector.broadcast %broadcast_in_dim3A_41 : vector<1x128xf32> to vector<1024x128xf32>
    %get3A_43 = arith.constant 1 : index
    %get3A_44 = arith.constant 0 : index
    %get3A_45 = vector.load %arg4[%get3A_43, %get3A_44] : memref<8x128xf32, #tpu.memory_space<vmem>>, vector<1x128xf32>
    %broadcast_in_dim3A_46 = vector.shape_cast %get3A_45 : vector<1x128xf32> to vector<1x128xf32>
    %broadcast_in_dim3A_47 = vector.broadcast %broadcast_in_dim3A_46 : vector<1x128xf32> to vector<1024x128xf32>
    %select_n3A_48 = arith.select %broadcast_in_dim3A_27, %broadcast_in_dim3A_42, %broadcast_in_dim3A_47 : vector<1024x128xi1>, vector<1024x128xf32>
    %sub3A_49 = arith.subf %concatenate3A, %select_n3A : vector<1024x128xf32>
    %mul3A_50 = arith.mulf %sub3A_49, %select_n3A_48 : vector<1024x128xf32>
    %get3A_51 = arith.constant 0 : index
    %get3A_52 = arith.constant 0 : index
    %get3A_53 = vector.load %arg5[%get3A_51, %get3A_52] : memref<128x256xf32, #tpu.memory_space<vmem>>, vector<128x256xf32>
    %dot_general3A_54 = arith.constant dense<0.000000e+00> : vector<1024x256xf32>
    %dot_general3A_55 = tpu.matmul %mul3A_50, %get3A_53, %dot_general3A_54 {dimension_numbers = #tpu.dot_dimension_numbers<[1], [0], [0], [1], [0, 0, 1, 1], [], []>, transpose_lhs_hint = false} : vector<1024x128xf32>, vector<128x256xf32>, vector<1024x256xf32> -> vector<1024x256xf32>
    %get3A_56 = arith.constant 0 : index
    %get3A_57 = arith.constant 0 : index
    %get3A_58 = vector.load %arg6[%get3A_56, %get3A_57] : memref<1x256xf32, #tpu.memory_space<vmem>>, vector<1x256xf32>
    %add3A_59 = vector.broadcast %get3A_58 : vector<1x256xf32> to vector<1024x256xf32>
    %add3A_60 = arith.addf %dot_general3A_55, %add3A_59 : vector<1024x256xf32>
    %tanh3A = math.tanh %add3A_60 : vector<1024x256xf32>
    %get3A_61 = arith.constant 0 : index
    %get3A_62 = arith.constant 0 : index
    %get3A_63 = vector.load %arg7[%get3A_61, %get3A_62] : memref<256x128xf32, #tpu.memory_space<vmem>>, vector<256x128xf32>
    %dot_general3A_64 = arith.constant dense<0.000000e+00> : vector<1024x128xf32>
    %dot_general3A_65 = tpu.matmul %tanh3A, %get3A_63, %dot_general3A_64 {dimension_numbers = #tpu.dot_dimension_numbers<[1], [0], [0], [1], [0, 0, 1, 1], [], []>, transpose_lhs_hint = false} : vector<1024x256xf32>, vector<256x128xf32>, vector<1024x128xf32> -> vector<1024x128xf32>
    %get3A_66 = arith.constant 0 : index
    %get3A_67 = arith.constant 0 : index
    %get3A_68 = vector.load %arg8[%get3A_66, %get3A_67] : memref<1x128xf32, #tpu.memory_space<vmem>>, vector<1x128xf32>
    %add3A_69 = vector.broadcast %get3A_68 : vector<1x128xf32> to vector<1024x128xf32>
    %add3A_70 = arith.addf %dot_general3A_65, %add3A_69 : vector<1024x128xf32>
    %tanh3A_71 = math.tanh %add3A_70 : vector<1024x128xf32>
    %get3A_72 = arith.constant 0 : index
    %get3A_73 = arith.constant 0 : index
    %get3A_74 = vector.load %arg9[%get3A_72, %get3A_73] : memref<128x64xf32, #tpu.memory_space<vmem>>, vector<128x64xf32>
    %dot_general3A_75 = arith.constant dense<0.000000e+00> : vector<1024x64xf32>
    %dot_general3A_76 = tpu.matmul %tanh3A_71, %get3A_74, %dot_general3A_75 {dimension_numbers = #tpu.dot_dimension_numbers<[1], [0], [0], [1], [0, 0, 1, 1], [], []>, transpose_lhs_hint = false} : vector<1024x128xf32>, vector<128x64xf32>, vector<1024x64xf32> -> vector<1024x64xf32>
    %get3A_77 = arith.constant 0 : index
    %get3A_78 = arith.constant 0 : index
    %get3A_79 = vector.load %arg10[%get3A_77, %get3A_78] : memref<1x64xf32, #tpu.memory_space<vmem>>, vector<1x64xf32>
    %add3A_80 = vector.broadcast %get3A_79 : vector<1x64xf32> to vector<1024x64xf32>
    %add3A_81 = arith.addf %dot_general3A_76, %add3A_80 : vector<1024x64xf32>
    %tanh3A_82 = math.tanh %add3A_81 : vector<1024x64xf32>
    %get3A_83 = arith.constant 0 : index
    %get3A_84 = arith.constant 0 : index
    %get3A_85 = vector.load %arg11[%get3A_83, %get3A_84] : memref<64x32xf32, #tpu.memory_space<vmem>>, vector<64x32xf32>
    %dot_general3A_86 = arith.constant dense<0.000000e+00> : vector<1024x32xf32>
    %dot_general3A_87 = tpu.matmul %tanh3A_82, %get3A_85, %dot_general3A_86 {dimension_numbers = #tpu.dot_dimension_numbers<[1], [0], [0], [1], [0, 0, 1, 1], [], []>, transpose_lhs_hint = false} : vector<1024x64xf32>, vector<64x32xf32>, vector<1024x32xf32> -> vector<1024x32xf32>
    %get3A_88 = arith.constant 0 : index
    %get3A_89 = arith.constant 0 : index
    %get3A_90 = vector.load %arg12[%get3A_88, %get3A_89] : memref<1x32xf32, #tpu.memory_space<vmem>>, vector<1x32xf32>
    %add3A_91 = vector.broadcast %get3A_90 : vector<1x32xf32> to vector<1024x32xf32>
    %add3A_92 = arith.addf %dot_general3A_87, %add3A_91 : vector<1024x32xf32>
    %tanh3A_93 = math.tanh %add3A_92 : vector<1024x32xf32>
    %get3A_94 = arith.constant 0 : index
    %get3A_95 = arith.constant 0 : index
    %get3A_96 = vector.load %arg13[%get3A_94, %get3A_95] : memref<32x16xf32, #tpu.memory_space<vmem>>, vector<32x16xf32>
    %dot_general3A_97 = arith.constant dense<0.000000e+00> : vector<1024x16xf32>
    %dot_general3A_98 = tpu.matmul %tanh3A_93, %get3A_96, %dot_general3A_97 {dimension_numbers = #tpu.dot_dimension_numbers<[1], [0], [0], [1], [0, 0, 1, 1], [], []>, transpose_lhs_hint = false} : vector<1024x32xf32>, vector<32x16xf32>, vector<1024x16xf32> -> vector<1024x16xf32>
    %get3A_99 = arith.constant 0 : index
    %get3A_100 = arith.constant 0 : index
    %get3A_101 = vector.load %arg14[%get3A_99, %get3A_100] : memref<1x16xf32, #tpu.memory_space<vmem>>, vector<1x16xf32>
    %add3A_102 = vector.broadcast %get3A_101 : vector<1x16xf32> to vector<1024x16xf32>
    %add3A_103 = arith.addf %dot_general3A_98, %add3A_102 : vector<1024x16xf32>
    %tanh3A_104 = math.tanh %add3A_103 : vector<1024x16xf32>
    %get3A_105 = arith.constant 0 : index
    %get3A_106 = arith.constant 0 : index
    %get3A_107 = vector.load %arg15[%get3A_105, %get3A_106] : memref<1x16xf32, #tpu.memory_space<vmem>>, vector<1x16xf32>
    %mul3A_108 = vector.broadcast %get3A_107 : vector<1x16xf32> to vector<1024x16xf32>
    %mul3A_109 = arith.mulf %tanh3A_104, %mul3A_108 : vector<1024x16xf32>
    %reduce_sum3A = arith.constant dense<0.000000e+00> : vector<1024xf32>
    %reduce_sum3A_110 = vector.multi_reduction <add>, %mul3A_109, %reduce_sum3A [1] : vector<1024x16xf32> to vector<1024xf32>
    %broadcast_in_dim3A_111 = vector.shape_cast %reduce_sum3A_110 : vector<1024xf32> to vector<1024x1xf32>
    %get3A_112 = arith.constant 0 : index
    %get3A_113 = arith.constant 0 : index
    %get3A_114 = vector.load %arg16[%get3A_112, %get3A_113] : memref<1x8xf32, #tpu.memory_space<vmem>>, vector<1x1xf32>
    %add3A_115 = vector.broadcast %get3A_114 : vector<1x1xf32> to vector<1024x1xf32>
    %add3A_116 = arith.addf %broadcast_in_dim3A_111, %add3A_115 : vector<1024x1xf32>
    %iota3A = tpu.iota {dimensions = array<i32: 0>} : vector<1024x1xi32>
    %mul3A_117 = arith.constant 1024 : i32
    %mul3A_118 = arith.muli %arg0, %mul3A_117 : i32
    %add3A_119 = vector.broadcast %mul3A_118 : i32 to vector<1024x1xi32>
    %add3A_120 = arith.addi %iota3A, %add3A_119 : vector<1024x1xi32>
    %add3A_121 = arith.constant 5120 : i32
    %add3A_122 = vector.broadcast %add3A_121 : i32 to vector<1024x1xi32>
    %add3A_123 = arith.addi %add3A_120, %add3A_122 : vector<1024x1xi32>
    %lt3A = arith.constant 10000 : i32
    %lt3A_124 = vector.broadcast %lt3A : i32 to vector<1024x1xi32>
    %lt3A_125 = arith.cmpi slt, %add3A_123, %lt3A_124 : vector<1024x1xi32>
    %jit3A = arith.constant 0.000000e+00 : f32
    %broadcast_in_dim3A_126 = vector.broadcast %jit3A : f32 to vector<1024x1xf32>
    %select_n3A_127 = arith.select %lt3A_125, %add3A_116, %broadcast_in_dim3A_126 : vector<1024x1xi1>, vector<1024x1xf32>
    %eq3A_128 = arith.constant 0 : i32
    %eq3A_129 = arith.cmpi eq, %arg0, %eq3A_128 : i32
    %convert_element_type3A = arith.extui %eq3A_129 : i1 to i32
    %cond3A = arith.constant 0 : i32
    %cond3A_130 = arith.cmpi ne, %convert_element_type3A, %cond3A : i32
    scf.if %cond3A_130 {
      %broadcast_in_dim3A_248 = arith.constant 0.000000e+00 : f32
      %broadcast_in_dim3A_249 = vector.broadcast %broadcast_in_dim3A_248 : f32 to vector<1x128xf32>
      %swap3A_250 = arith.constant 0 : index
      %swap3A_251 = arith.constant 0 : index
      %swap3A_252 = vector.load %arg18[%swap3A_250, %swap3A_251] : memref<1x128xf32, #tpu.memory_space<vmem>>, vector<1x128xf32>
      tpu.vector_store %arg18[%swap3A_250, %swap3A_251], %broadcast_in_dim3A_249 {strides = array<i32>} : memref<1x128xf32, #tpu.memory_space<vmem>>, vector<1x128xf32>,
    } else {
    }
    %get3A_131 = arith.constant 0 : index
    %get3A_132 = arith.constant 0 : index
    %get3A_133 = vector.load %arg18[%get3A_131, %get3A_132] : memref<1x128xf32, #tpu.memory_space<vmem>>, vector<1x128xf32>
    %reduce_sum3A_134 = vector.shape_cast %select_n3A_127 : vector<1024x1xf32> to vector<1x1024x1xf32>
    %reduce_sum3A_135 = arith.constant dense<0.000000e+00> : vector<1xf32>
    %reduce_sum3A_136 = vector.multi_reduction <add>, %reduce_sum3A_134, %reduce_sum3A_135 [1, 2] : vector<1x1024x1xf32> to vector<1xf32>
    %reduce_sum3A_137 = vector.shape_cast %reduce_sum3A_136 : vector<1xf32> to vector<1x1x1xf32>
    %reduce_sum3A_138 = vector.extract %reduce_sum3A_137[0, 0, 0] : f32 from vector<1x1x1xf32>
    %reshape3A = vector.broadcast %reduce_sum3A_138 : f32 to vector<1x1xf32>
    %broadcast_in_dim3A_139 = vector.shape_cast %reshape3A : vector<1x1xf32> to vector<1x1xf32>
    %broadcast_in_dim3A_140 = vector.broadcast %broadcast_in_dim3A_139 : vector<1x1xf32> to vector<1x128xf32>
    %add3A_141 = arith.addf %get3A_133, %broadcast_in_dim3A_140 : vector<1x128xf32>
    %swap3A = arith.constant 0 : index
    %swap3A_142 = arith.constant 0 : index
    %swap3A_143 = vector.load %arg18[%swap3A, %swap3A_142] : memref<1x128xf32, #tpu.memory_space<vmem>>, vector<1x128xf32>
    tpu.vector_store %arg18[%swap3A, %swap3A_142], %add3A_141 {strides = array<i32>} : memref<1x128xf32, #tpu.memory_space<vmem>>, vector<1x128xf32>,
    %mul3A_144 = arith.mulf %tanh3A_104, %tanh3A_104 : vector<1024x16xf32>
    %sub3A_145 = arith.constant 1.000000e+00 : f32
    %sub3A_146 = vector.broadcast %sub3A_145 : f32 to vector<1024x16xf32>
    %sub3A_147 = arith.subf %sub3A_146, %mul3A_144 : vector<1024x16xf32>
    %get3A_148 = arith.constant 0 : index
    %get3A_149 = arith.constant 0 : index
    %get3A_150 = vector.load %arg15[%get3A_148, %get3A_149] : memref<1x16xf32, #tpu.memory_space<vmem>>, vector<1x16xf32>
    %mul3A_151 = vector.broadcast %get3A_150 : vector<1x16xf32> to vector<1024x16xf32>
    %mul3A_152 = arith.mulf %sub3A_147, %mul3A_151 : vector<1024x16xf32>
    %get3A_153 = arith.constant 0 : index
    %get3A_154 = arith.constant 0 : index
    %get3A_155 = vector.load %arg13[%get3A_153, %get3A_154] : memref<32x16xf32, #tpu.memory_space<vmem>>, vector<32x16xf32>
    %dot_general3A_156 = arith.constant dense<0.000000e+00> : vector<1024x32xf32>
    %dot_general3A_157 = tpu.matmul %mul3A_152, %get3A_155, %dot_general3A_156 {dimension_numbers = #tpu.dot_dimension_numbers<[1], [1], [0], [0], [0, 0, 1, 0], [], []>, transpose_lhs_hint = false} : vector<1024x16xf32>, vector<32x16xf32>, vector<1024x32xf32> -> vector<1024x32xf32>
    %mul3A_158 = arith.mulf %tanh3A_93, %tanh3A_93 : vector<1024x32xf32>
    %sub3A_159 = arith.constant 1.000000e+00 : f32
    %sub3A_160 = vector.broadcast %sub3A_159 : f32 to vector<1024x32xf32>
    %sub3A_161 = arith.subf %sub3A_160, %mul3A_158 : vector<1024x32xf32>
    %mul3A_162 = arith.mulf %dot_general3A_157, %sub3A_161 : vector<1024x32xf32>
    %get3A_163 = arith.constant 0 : index
    %get3A_164 = arith.constant 0 : index
    %get3A_165 = vector.load %arg11[%get3A_163, %get3A_164] : memref<64x32xf32, #tpu.memory_space<vmem>>, vector<64x32xf32>
    %dot_general3A_166 = arith.constant dense<0.000000e+00> : vector<1024x64xf32>
    %dot_general3A_167 = tpu.matmul %mul3A_162, %get3A_165, %dot_general3A_166 {dimension_numbers = #tpu.dot_dimension_numbers<[1], [1], [0], [0], [0, 0, 1, 0], [], []>, transpose_lhs_hint = false} : vector<1024x32xf32>, vector<64x32xf32>, vector<1024x64xf32> -> vector<1024x64xf32>
    %mul3A_168 = arith.mulf %tanh3A_82, %tanh3A_82 : vector<1024x64xf32>
    %sub3A_169 = arith.constant 1.000000e+00 : f32
    %sub3A_170 = vector.broadcast %sub3A_169 : f32 to vector<1024x64xf32>
    %sub3A_171 = arith.subf %sub3A_170, %mul3A_168 : vector<1024x64xf32>
    %mul3A_172 = arith.mulf %dot_general3A_167, %sub3A_171 : vector<1024x64xf32>
    %get3A_173 = arith.constant 0 : index
    %get3A_174 = arith.constant 0 : index
    %get3A_175 = vector.load %arg9[%get3A_173, %get3A_174] : memref<128x64xf32, #tpu.memory_space<vmem>>, vector<128x64xf32>
    %dot_general3A_176 = arith.constant dense<0.000000e+00> : vector<1024x128xf32>
    %dot_general3A_177 = tpu.matmul %mul3A_172, %get3A_175, %dot_general3A_176 {dimension_numbers = #tpu.dot_dimension_numbers<[1], [1], [0], [0], [0, 0, 1, 0], [], []>, transpose_lhs_hint = false} : vector<1024x64xf32>, vector<128x64xf32>, vector<1024x128xf32> -> vector<1024x128xf32>
    %mul3A_178 = arith.mulf %tanh3A_71, %tanh3A_71 : vector<1024x128xf32>
    %sub3A_179 = arith.constant 1.000000e+00 : f32
    %sub3A_180 = vector.broadcast %sub3A_179 : f32 to vector<1024x128xf32>
    %sub3A_181 = arith.subf %sub3A_180, %mul3A_178 : vector<1024x128xf32>
    %mul3A_182 = arith.mulf %dot_general3A_177, %sub3A_181 : vector<1024x128xf32>
    %get3A_183 = arith.constant 0 : index
    %get3A_184 = arith.constant 0 : index
    %get3A_185 = vector.load %arg7[%get3A_183, %get3A_184] : memref<256x128xf32, #tpu.memory_space<vmem>>, vector<256x128xf32>
    %dot_general3A_186 = arith.constant dense<0.000000e+00> : vector<1024x256xf32>
    %dot_general3A_187 = tpu.matmul %mul3A_182, %get3A_185, %dot_general3A_186 {dimension_numbers = #tpu.dot_dimension_numbers<[1], [1], [0], [0], [0, 0, 1, 0], [], []>, transpose_lhs_hint = false} : vector<1024x128xf32>, vector<256x128xf32>, vector<1024x256xf32> -> vector<1024x256xf32>
    %mul3A_188 = arith.mulf %tanh3A, %tanh3A : vector<1024x256xf32>
    %sub3A_189 = arith.constant 1.000000e+00 : f32
    %sub3A_190 = vector.broadcast %sub3A_189 : f32 to vector<1024x256xf32>
    %sub3A_191 = arith.subf %sub3A_190, %mul3A_188 : vector<1024x256xf32>
    %mul3A_192 = arith.mulf %dot_general3A_187, %sub3A_191 : vector<1024x256xf32>
    %get3A_193 = arith.constant 0 : index
    %get3A_194 = arith.constant 0 : index
    %get3A_195 = vector.load %arg5[%get3A_193, %get3A_194] : memref<128x256xf32, #tpu.memory_space<vmem>>, vector<128x256xf32>
    %dot_general3A_196 = arith.constant dense<0.000000e+00> : vector<1024x128xf32>
    %dot_general3A_197 = tpu.matmul %mul3A_192, %get3A_195, %dot_general3A_196 {dimension_numbers = #tpu.dot_dimension_numbers<[1], [1], [0], [0], [0, 0, 1, 0], [], []>, transpose_lhs_hint = false} : vector<1024x256xf32>, vector<128x256xf32>, vector<1024x128xf32> -> vector<1024x128xf32>
    %mul3A_198 = arith.mulf %dot_general3A_197, %select_n3A_48 : vector<1024x128xf32>
    %slice3A_199 = vector.extract_strided_slice %mul3A_198 {offsets = [0, 0], sizes = [1024, 32], strides = [1, 1]} : vector<1024x128xf32> to vector<1024x32xf32>
    %slice3A_200 = vector.extract_strided_slice %mul3A_198 {offsets = [0, 32], sizes = [1024, 32], strides = [1, 1]} : vector<1024x128xf32> to vector<1024x32xf32>
    %slice3A_201 = vector.extract_strided_slice %mul3A_198 {offsets = [0, 64], sizes = [1024, 32], strides = [1, 1]} : vector<1024x128xf32> to vector<1024x32xf32>
    %slice3A_202 = vector.extract_strided_slice %mul3A_198 {offsets = [0, 96], sizes = [1024, 32], strides = [1, 1]} : vector<1024x128xf32> to vector<1024x32xf32>
    %mul3A_203 = arith.mulf %slice3A_200, %slice3A_7 : vector<1024x32xf32>
    %mul3A_204 = arith.mulf %slice3A_201, %slice3A_8 : vector<1024x32xf32>
    %add3A_205 = arith.addf %mul3A_203, %mul3A_204 : vector<1024x32xf32>
    %mul3A_206 = arith.mulf %slice3A_202, %slice3A_9 : vector<1024x32xf32>
    %add3A_207 = arith.addf %add3A_205, %mul3A_206 : vector<1024x32xf32>
    %mul3A_208 = arith.mulf %slice3A_199, %div3A_20 : vector<1024x32xf32>
    %mul3A_209 = arith.mulf %mul3A_208, %div3A_17 : vector<1024x32xf32>
    %mul3A_210 = arith.constant 2.000000e+00 : f32
    %mul3A_211 = vector.broadcast %mul3A_210 : f32 to vector<1024x32xf32>
    %mul3A_212 = arith.mulf %mul3A_211, %add3A_207 : vector<1024x32xf32>
    %mul3A_213 = arith.mulf %mul3A_212, %div3A_17 : vector<1024x32xf32>
    %mul3A_214 = arith.mulf %mul3A_213, %div3A_17 : vector<1024x32xf32>
    %add3A_215 = arith.addf %mul3A_209, %mul3A_214 : vector<1024x32xf32>
    %mul3A_216 = arith.mulf %slice3A_200, %div3A_17 : vector<1024x32xf32>
    %mul3A_217 = arith.mulf %slice3A_7, %add3A_215 : vector<1024x32xf32>
    %sub3A_218 = arith.subf %mul3A_216, %mul3A_217 : vector<1024x32xf32>
    %mul3A_219 = arith.mulf %slice3A_201, %div3A_17 : vector<1024x32xf32>
    %mul3A_220 = arith.mulf %slice3A_8, %add3A_215 : vector<1024x32xf32>
    %sub3A_221 = arith.subf %mul3A_219, %mul3A_220 : vector<1024x32xf32>
    %mul3A_222 = arith.mulf %slice3A_202, %div3A_17 : vector<1024x32xf32>
    %mul3A_223 = arith.mulf %slice3A_9, %add3A_215 : vector<1024x32xf32>
    %sub3A_224 = arith.subf %mul3A_222, %mul3A_223 : vector<1024x32xf32>
    %neg3A = arith.constant 0.000000e+00 : f32
    %neg3A_225 = vector.broadcast %neg3A : f32 to vector<1024x32xf32>
    %neg3A_226 = arith.subf %neg3A_225, %sub3A_218 : vector<1024x32xf32>
    %neg3A_227 = arith.constant 0.000000e+00 : f32
    %neg3A_228 = vector.broadcast %neg3A_227 : f32 to vector<1024x32xf32>
    %neg3A_229 = arith.subf %neg3A_228, %sub3A_221 : vector<1024x32xf32>
    %neg3A_230 = arith.constant 0.000000e+00 : f32
    %neg3A_231 = vector.broadcast %neg3A_230 : f32 to vector<1024x32xf32>
    %neg3A_232 = arith.subf %neg3A_231, %sub3A_224 : vector<1024x32xf32>
    %reduce_sum3A_233 = arith.constant dense<0.000000e+00> : vector<1024xf32>
    %reduce_sum3A_234 = vector.multi_reduction <add>, %sub3A_218, %reduce_sum3A_233 [1] : vector<1024x32xf32> to vector<1024xf32>
    %broadcast_in_dim3A_235 = vector.shape_cast %reduce_sum3A_234 : vector<1024xf32> to vector<1024x1xf32>
    %reduce_sum3A_236 = arith.constant dense<0.000000e+00> : vector<1024xf32>
    %reduce_sum3A_237 = vector.multi_reduction <add>, %sub3A_221, %reduce_sum3A_236 [1] : vector<1024x32xf32> to vector<1024xf32>
    %broadcast_in_dim3A_238 = vector.shape_cast %reduce_sum3A_237 : vector<1024xf32> to vector<1024x1xf32>
    %reduce_sum3A_239 = arith.constant dense<0.000000e+00> : vector<1024xf32>
    %reduce_sum3A_240 = vector.multi_reduction <add>, %sub3A_224, %reduce_sum3A_239 [1] : vector<1024x32xf32> to vector<1024xf32>
    %broadcast_in_dim3A_241 = vector.shape_cast %reduce_sum3A_240 : vector<1024xf32> to vector<1024x1xf32>
    %broadcast_in_dim3A_242 = arith.constant 0.000000e+00 : f32
    %broadcast_in_dim3A_243 = vector.broadcast %broadcast_in_dim3A_242 : f32 to vector<1024x29xf32>
    %concatenate3A_244 = tpu.concatenate %neg3A_226, %neg3A_229, %neg3A_232, %broadcast_in_dim3A_235, %broadcast_in_dim3A_238, %broadcast_in_dim3A_241, %broadcast_in_dim3A_243 in 1 : vector<1024x32xf32>, vector<1024x32xf32>, vector<1024x32xf32>, vector<1024x1xf32>, vector<1024x1xf32>, vector<1024x1xf32>, vector<1024x29xf32> -> vector<1024x128xf32>
    %swap3A_245 = arith.constant 0 : index
    %swap3A_246 = arith.constant 0 : index
    %swap3A_247 = vector.load %arg17[%swap3A_245, %swap3A_246] : memref<1024x128xf32, #tpu.memory_space<vmem>>, vector<1024x128xf32>
    tpu.vector_store %arg17[%swap3A_245, %swap3A_246], %concatenate3A_244 {strides = array<i32>} : memref<1024x128xf32, #tpu.memory_space<vmem>>, vector<1024x128xf32>,
    return
  }
  func.func @transform_0(%arg0: i32) -> (i32, i32) {
    %c0_i32 = arith.constant 0 : i32
    %c0_i32_0 = arith.constant 0 : i32
    return %arg0, %c0_i32 : i32, i32
  }
  func.func @transform_1(%arg0: i32) -> (i32, i32) {
    %c0_i32 = arith.constant 0 : i32
    %c0_i32_0 = arith.constant 0 : i32
    %c0_i32_1 = arith.constant 0 : i32
    return %c0_i32, %c0_i32_0 : i32, i32
  }
  func.func @transform_2(%arg0: i32) -> (i32, i32) {
    %c0_i32 = arith.constant 0 : i32
    %c0_i32_0 = arith.constant 0 : i32
    %c0_i32_1 = arith.constant 0 : i32
    return %c0_i32, %c0_i32_0 : i32, i32
  }
  func.func @transform_3(%arg0: i32) -> (i32, i32) {
    %c0_i32 = arith.constant 0 : i32
    %c0_i32_0 = arith.constant 0 : i32
    %c0_i32_1 = arith.constant 0 : i32
    return %c0_i32, %c0_i32_0 : i32, i32
  }
  func.func @transform_4(%arg0: i32) -> (i32, i32) {
    %c0_i32 = arith.constant 0 : i32
    %c0_i32_0 = arith.constant 0 : i32
    %c0_i32_1 = arith.constant 0 : i32
    return %c0_i32, %c0_i32_0 : i32, i32
  }
  func.func @transform_5(%arg0: i32) -> (i32, i32) {
    %c0_i32 = arith.constant 0 : i32
    %c0_i32_0 = arith.constant 0 : i32
    %c0_i32_1 = arith.constant 0 : i32
    return %c0_i32, %c0_i32_0 : i32, i32
  }
  func.func @transform_6(%arg0: i32) -> (i32, i32) {
    %c0_i32 = arith.constant 0 : i32
    %c0_i32_0 = arith.constant 0 : i32
    %c0_i32_1 = arith.constant 0 : i32
    return %c0_i32, %c0_i32_0 : i32, i32
  }
  func.func @transform_7(%arg0: i32) -> (i32, i32) {
    %c0_i32 = arith.constant 0 : i32
    %c0_i32_0 = arith.constant 0 : i32
    %c0_i32_1 = arith.constant 0 : i32
    return %c0_i32, %c0_i32_0 : i32, i32
  }
  func.func @transform_8(%arg0: i32) -> (i32, i32) {
    %c0_i32 = arith.constant 0 : i32
    %c0_i32_0 = arith.constant 0 : i32
    %c0_i32_1 = arith.constant 0 : i32
    return %c0_i32, %c0_i32_0 : i32, i32
  }
  func.func @transform_9(%arg0: i32) -> (i32, i32) {
    %c0_i32 = arith.constant 0 : i32
    %c0_i32_0 = arith.constant 0 : i32
    %c0_i32_1 = arith.constant 0 : i32
    return %c0_i32, %c0_i32_0 : i32, i32
  }
  func.func @transform_10(%arg0: i32) -> (i32, i32) {
    %c0_i32 = arith.constant 0 : i32
    %c0_i32_0 = arith.constant 0 : i32
    %c0_i32_1 = arith.constant 0 : i32
    return %c0_i32, %c0_i32_0 : i32, i32
  }
  func.func @transform_11(%arg0: i32) -> (i32, i32) {
    %c0_i32 = arith.constant 0 : i32
    %c0_i32_0 = arith.constant 0 : i32
    %c0_i32_1 = arith.constant 0 : i32
    return %c0_i32, %c0_i32_0 : i32, i32
  }
  func.func @transform_12(%arg0: i32) -> (i32, i32) {
    %c0_i32 = arith.constant 0 : i32
    %c0_i32_0 = arith.constant 0 : i32
    %c0_i32_1 = arith.constant 0 : i32
    return %c0_i32, %c0_i32_0 : i32, i32
  }
  func.func @transform_13(%arg0: i32) -> (i32, i32) {
    %c0_i32 = arith.constant 0 : i32
    %c0_i32_0 = arith.constant 0 : i32
    %c0_i32_1 = arith.constant 0 : i32
    return %c0_i32, %c0_i32_0 : i32, i32
  }
  func.func @transform_14(%arg0: i32) -> (i32, i32) {
    %c0_i32 = arith.constant 0 : i32
    %c0_i32_0 = arith.constant 0 : i32
    %c0_i32_1 = arith.constant 0 : i32
    return %c0_i32, %c0_i32_0 : i32, i32
  }
  func.func @transform_15(%arg0: i32) -> (i32, i32) {
    %c0_i32 = arith.constant 0 : i32
    %c0_i32_0 = arith.constant 0 : i32
    %c0_i32_1 = arith.constant 0 : i32
    return %c0_i32, %c0_i32_0 : i32, i32
  }
  func.func @transform_16(%arg0: i32) -> (i32, i32) {
    %c0_i32 = arith.constant 0 : i32
    %c0_i32_0 = arith.constant 0 : i32
    return %arg0, %c0_i32 : i32, i32
  }
  func.func @transform_17(%arg0: i32) -> (i32, i32) {
    %c0_i32 = arith.constant 0 : i32
    %c0_i32_0 = arith.constant 0 : i32
    %c0_i32_1 = arith.constant 0 : i32
    return %c0_i32, %c0_i32_0 : i32, i32
  }
}

module attributes {stable_mosaic.version = 14 : i64} {
  func.func @_dense_body(%arg0: i32, %arg1: memref<1024x128xf32, #tpu.memory_space<vmem>>, %arg2: memref<8x96xf32, #tpu.memory_space<vmem>>, %arg3: memref<8x128xf32, #tpu.memory_space<vmem>>, %arg4: memref<8x128xf32, #tpu.memory_space<vmem>>, %arg5: memref<128x256xf32, #tpu.memory_space<vmem>>, %arg6: memref<1x256xf32, #tpu.memory_space<vmem>>, %arg7: memref<256x128xf32, #tpu.memory_space<vmem>>, %arg8: memref<1x128xf32, #tpu.memory_space<vmem>>, %arg9: memref<128x64xf32, #tpu.memory_space<vmem>>, %arg10: memref<1x64xf32, #tpu.memory_space<vmem>>, %arg11: memref<64x32xf32, #tpu.memory_space<vmem>>, %arg12: memref<1x32xf32, #tpu.memory_space<vmem>>, %arg13: memref<32x16xf32, #tpu.memory_space<vmem>>, %arg14: memref<1x16xf32, #tpu.memory_space<vmem>>, %arg15: memref<1x16xf32, #tpu.memory_space<vmem>>, %arg16: memref<1x8xf32, #tpu.memory_space<vmem>>, %arg17: memref<1024x128xf32, #tpu.memory_space<vmem>>, %arg18: memref<1x128xf32, #tpu.memory_space<vmem>>) attributes {dimension_semantics = [#tpu.dimension_semantics<arbitrary>], iteration_bounds = array<i64: 5>, scalar_prefetch = 0 : i64, scratch_operands = 0 : i64, tpu.core_type = #tpu.core_type<tc>, window_params = [{transform_indices = @transform_0, window_bounds = array<i64: 1024, 128>}, {pipeline_mode = #tpu.pipeline_mode<synchronous>, transform_indices = @transform_1, window_bounds = array<i64: 8, 96>}, {pipeline_mode = #tpu.pipeline_mode<synchronous>, transform_indices = @transform_2, window_bounds = array<i64: 8, 128>}, {pipeline_mode = #tpu.pipeline_mode<synchronous>, transform_indices = @transform_3, window_bounds = array<i64: 8, 128>}, {pipeline_mode = #tpu.pipeline_mode<synchronous>, transform_indices = @transform_4, window_bounds = array<i64: 128, 256>}, {pipeline_mode = #tpu.pipeline_mode<synchronous>, transform_indices = @transform_5, window_bounds = array<i64: 1, 256>}, {pipeline_mode = #tpu.pipeline_mode<synchronous>, transform_indices = @transform_6, window_bounds = array<i64: 256, 128>}, {pipeline_mode = #tpu.pipeline_mode<synchronous>, transform_indices = @transform_7, window_bounds = array<i64: 1, 128>}, {pipeline_mode = #tpu.pipeline_mode<synchronous>, transform_indices = @transform_8, window_bounds = array<i64: 128, 64>}, {pipeline_mode = #tpu.pipeline_mode<synchronous>, transform_indices = @transform_9, window_bounds = array<i64: 1, 64>}, {pipeline_mode = #tpu.pipeline_mode<synchronous>, transform_indices = @transform_10, window_bounds = array<i64: 64, 32>}, {pipeline_mode = #tpu.pipeline_mode<synchronous>, transform_indices = @transform_11, window_bounds = array<i64: 1, 32>}, {pipeline_mode = #tpu.pipeline_mode<synchronous>, transform_indices = @transform_12, window_bounds = array<i64: 32, 16>}, {pipeline_mode = #tpu.pipeline_mode<synchronous>, transform_indices = @transform_13, window_bounds = array<i64: 1, 16>}, {pipeline_mode = #tpu.pipeline_mode<synchronous>, transform_indices = @transform_14, window_bounds = array<i64: 1, 16>}, {pipeline_mode = #tpu.pipeline_mode<synchronous>, transform_indices = @transform_15, window_bounds = array<i64: 1, 8>}, {transform_indices = @transform_16, window_bounds = array<i64: 1024, 128>}, {pipeline_mode = #tpu.pipeline_mode<synchronous>, transform_indices = @transform_17, window_bounds = array<i64: 1, 128>}]} {
    %get3A = arith.constant 0 : index
    %get3A_0 = arith.constant 0 : index
    %get3A_1 = vector.load %arg1[%get3A, %get3A_0] : memref<1024x128xf32, #tpu.memory_space<vmem>>, vector<1024x128xf32>
    %slice3A = vector.extract_strided_slice %get3A_1 {offsets = [0, 96], sizes = [1024, 8], strides = [1, 1]} : vector<1024x128xf32> to vector<1024x8xf32>
    %get3A_2 = arith.constant 0 : index
    %get3A_3 = arith.constant 0 : index
    %get3A_4 = vector.load %arg2[%get3A_2, %get3A_3] : memref<8x96xf32, #tpu.memory_space<vmem>>, vector<8x96xf32>
    %dot_general3A = arith.constant dense<0.000000e+00> : vector<1024x96xf32>
    %dot_general3A_5 = tpu.matmul %slice3A, %get3A_4, %dot_general3A {dimension_numbers = #tpu.dot_dimension_numbers<[1], [0], [0], [1], [0, 0, 1, 1], [], []>, precision = #tpu.contract_precision<fp32>, transpose_lhs_hint = false} : vector<1024x8xf32>, vector<8x96xf32>, vector<1024x96xf32> -> vector<1024x96xf32>
    %slice3A_6 = vector.extract_strided_slice %get3A_1 {offsets = [0, 0], sizes = [1024, 96], strides = [1, 1]} : vector<1024x128xf32> to vector<1024x96xf32>
    %sub3A = arith.subf %slice3A_6, %dot_general3A_5 : vector<1024x96xf32>
    %slice3A_7 = vector.extract_strided_slice %sub3A {offsets = [0, 0], sizes = [1024, 32], strides = [1, 1]} : vector<1024x96xf32> to vector<1024x32xf32>
    %slice3A_8 = vector.extract_strided_slice %sub3A {offsets = [0, 32], sizes = [1024, 32], strides = [1, 1]} : vector<1024x96xf32> to vector<1024x32xf32>
    %slice3A_9 = vector.extract_strided_slice %sub3A {offsets = [0, 64], sizes = [1024, 32], strides = [1, 1]} : vector<1024x96xf32> to vector<1024x32xf32>
    %mul3A = arith.mulf %slice3A_7, %slice3A_7 : vector<1024x32xf32>
    %mul3A_10 = arith.mulf %slice3A_8, %slice3A_8 : vector<1024x32xf32>
    %add3A = arith.addf %mul3A, %mul3A_10 : vector<1024x32xf32>
    %mul3A_11 = arith.mulf %slice3A_9, %slice3A_9 : vector<1024x32xf32>
    %add3A_12 = arith.addf %add3A, %mul3A_11 : vector<1024x32xf32>
    %add3A_13 = arith.constant 9.99999997E-7 : f32
    %add3A_14 = vector.broadcast %add3A_13 : f32 to vector<1024x32xf32>
    %add3A_15 = arith.addf %add3A_12, %add3A_14 : vector<1024x32xf32>
    %div3A = arith.constant 1.000000e+00 : f32
    %div3A_16 = vector.broadcast %div3A : f32 to vector<1024x32xf32>
    %div3A_17 = arith.divf %div3A_16, %add3A_15 : vector<1024x32xf32>
    %sqrt3A = math.sqrt %add3A_15 : vector<1024x32xf32>
    %div3A_18 = arith.constant 1.000000e+00 : f32
    %div3A_19 = vector.broadcast %div3A_18 : f32 to vector<1024x32xf32>
    %div3A_20 = arith.divf %div3A_19, %sqrt3A : vector<1024x32xf32>
    %mul3A_21 = arith.mulf %slice3A_7, %div3A_17 : vector<1024x32xf32>
    %mul3A_22 = arith.mulf %slice3A_8, %div3A_17 : vector<1024x32xf32>
    %mul3A_23 = arith.mulf %slice3A_9, %div3A_17 : vector<1024x32xf32>
    %concatenate3A = tpu.concatenate %div3A_20, %mul3A_21, %mul3A_22, %mul3A_23 in 1 : vector<1024x32xf32>, vector<1024x32xf32>, vector<1024x32xf32>, vector<1024x32xf32> -> vector<1024x128xf32>
    %slice3A_24 = vector.extract_strided_slice %get3A_1 {offsets = [0, 99], sizes = [1024, 1], strides = [1, 1]} : vector<1024x128xf32> to vector<1024x1xf32>
    %eq3A = arith.constant 0.000000e+00 : f32
    %eq3A_25 = vector.broadcast %eq3A : f32 to vector<1024x1xf32>
    %eq3A_26 = arith.cmpf oeq, %slice3A_24, %eq3A_25 : vector<1024x1xf32>
    %broadcast_in_dim3A = vector.shape_cast %eq3A_26 : vector<1024x1xi1> to vector<1024x1xi1>
    %broadcast_in_dim3A_27 = vector.broadcast %broadcast_in_dim3A : vector<1024x1xi1> to vector<1024x128xi1>
    %get3A_28 = arith.constant 0 : index
    %get3A_29 = arith.constant 0 : index
    %get3A_30 = vector.load %arg3[%get3A_28, %get3A_29] : memref<8x128xf32, #tpu.memory_space<vmem>>, vector<1x128xf32>
    %broadcast_in_dim3A_31 = vector.shape_cast %get3A_30 : vector<1x128xf32> to vector<1x128xf32>
    %broadcast_in_dim3A_32 = vector.broadcast %broadcast_in_dim3A_31 : vector<1x128xf32> to vector<1024x128xf32>
    %get3A_33 = arith.constant 1 : index
    %get3A_34 = arith.constant 0 : index
    %get3A_35 = vector.load %arg3[%get3A_33, %get3A_34] : memref<8x128xf32, #tpu.memory_space<vmem>>, vector<1x128xf32>
    %broadcast_in_dim3A_36 = vector.shape_cast %get3A_35 : vector<1x128xf32> to vector<1x128xf32>
    %broadcast_in_dim3A_37 = vector.broadcast %broadcast_in_dim3A_36 : vector<1x128xf32> to vector<1024x128xf32>
    %select_n3A = arith.select %broadcast_in_dim3A_27, %broadcast_in_dim3A_32, %broadcast_in_dim3A_37 : vector<1024x128xi1>, vector<1024x128xf32>
    %get3A_38 = arith.constant 0 : index
    %get3A_39 = arith.constant 0 : index
    %get3A_40 = vector.load %arg4[%get3A_38, %get3A_39] : memref<8x128xf32, #tpu.memory_space<vmem>>, vector<1x128xf32>
    %broadcast_in_dim3A_41 = vector.shape_cast %get3A_40 : vector<1x128xf32> to vector<1x128xf32>
    %broadcast_in_dim3A_42 = vector.broadcast %broadcast_in_dim3A_41 : vector<1x128xf32> to vector<1024x128xf32>
    %get3A_43 = arith.constant 1 : index
    %get3A_44 = arith.constant 0 : index
    %get3A_45 = vector.load %arg4[%get3A_43, %get3A_44] : memref<8x128xf32, #tpu.memory_space<vmem>>, vector<1x128xf32>
    %broadcast_in_dim3A_46 = vector.shape_cast %get3A_45 : vector<1x128xf32> to vector<1x128xf32>
    %broadcast_in_dim3A_47 = vector.broadcast %broadcast_in_dim3A_46 : vector<1x128xf32> to vector<1024x128xf32>
    %select_n3A_48 = arith.select %broadcast_in_dim3A_27, %broadcast_in_dim3A_42, %broadcast_in_dim3A_47 : vector<1024x128xi1>, vector<1024x128xf32>
    %sub3A_49 = arith.subf %concatenate3A, %select_n3A : vector<1024x128xf32>
    %mul3A_50 = arith.mulf %sub3A_49, %select_n3A_48 : vector<1024x128xf32>
    %get3A_51 = arith.constant 0 : index
    %get3A_52 = arith.constant 0 : index
    %get3A_53 = vector.load %arg5[%get3A_51, %get3A_52] : memref<128x256xf32, #tpu.memory_space<vmem>>, vector<128x256xf32>
    %dot_general3A_54 = arith.constant dense<0.000000e+00> : vector<1024x256xf32>
    %dot_general3A_55 = tpu.matmul %mul3A_50, %get3A_53, %dot_general3A_54 {dimension_numbers = #tpu.dot_dimension_numbers<[1], [0], [0], [1], [0, 0, 1, 1], [], []>, transpose_lhs_hint = false} : vector<1024x128xf32>, vector<128x256xf32>, vector<1024x256xf32> -> vector<1024x256xf32>
    %get3A_56 = arith.constant 0 : index
    %get3A_57 = arith.constant 0 : index
    %get3A_58 = vector.load %arg6[%get3A_56, %get3A_57] : memref<1x256xf32, #tpu.memory_space<vmem>>, vector<1x256xf32>
    %add3A_59 = vector.broadcast %get3A_58 : vector<1x256xf32> to vector<1024x256xf32>
    %add3A_60 = arith.addf %dot_general3A_55, %add3A_59 : vector<1024x256xf32>
    %tanh3A = math.tanh %add3A_60 : vector<1024x256xf32>
    %get3A_61 = arith.constant 0 : index
    %get3A_62 = arith.constant 0 : index
    %get3A_63 = vector.load %arg7[%get3A_61, %get3A_62] : memref<256x128xf32, #tpu.memory_space<vmem>>, vector<256x128xf32>
    %dot_general3A_64 = arith.constant dense<0.000000e+00> : vector<1024x128xf32>
    %dot_general3A_65 = tpu.matmul %tanh3A, %get3A_63, %dot_general3A_64 {dimension_numbers = #tpu.dot_dimension_numbers<[1], [0], [0], [1], [0, 0, 1, 1], [], []>, transpose_lhs_hint = false} : vector<1024x256xf32>, vector<256x128xf32>, vector<1024x128xf32> -> vector<1024x128xf32>
    %get3A_66 = arith.constant 0 : index
    %get3A_67 = arith.constant 0 : index
    %get3A_68 = vector.load %arg8[%get3A_66, %get3A_67] : memref<1x128xf32, #tpu.memory_space<vmem>>, vector<1x128xf32>
    %add3A_69 = vector.broadcast %get3A_68 : vector<1x128xf32> to vector<1024x128xf32>
    %add3A_70 = arith.addf %dot_general3A_65, %add3A_69 : vector<1024x128xf32>
    %tanh3A_71 = math.tanh %add3A_70 : vector<1024x128xf32>
    %get3A_72 = arith.constant 0 : index
    %get3A_73 = arith.constant 0 : index
    %get3A_74 = vector.load %arg9[%get3A_72, %get3A_73] : memref<128x64xf32, #tpu.memory_space<vmem>>, vector<128x64xf32>
    %dot_general3A_75 = arith.constant dense<0.000000e+00> : vector<1024x64xf32>
    %dot_general3A_76 = tpu.matmul %tanh3A_71, %get3A_74, %dot_general3A_75 {dimension_numbers = #tpu.dot_dimension_numbers<[1], [0], [0], [1], [0, 0, 1, 1], [], []>, transpose_lhs_hint = false} : vector<1024x128xf32>, vector<128x64xf32>, vector<1024x64xf32> -> vector<1024x64xf32>
    %get3A_77 = arith.constant 0 : index
    %get3A_78 = arith.constant 0 : index
    %get3A_79 = vector.load %arg10[%get3A_77, %get3A_78] : memref<1x64xf32, #tpu.memory_space<vmem>>, vector<1x64xf32>
    %add3A_80 = vector.broadcast %get3A_79 : vector<1x64xf32> to vector<1024x64xf32>
    %add3A_81 = arith.addf %dot_general3A_76, %add3A_80 : vector<1024x64xf32>
    %tanh3A_82 = math.tanh %add3A_81 : vector<1024x64xf32>
    %get3A_83 = arith.constant 0 : index
    %get3A_84 = arith.constant 0 : index
    %get3A_85 = vector.load %arg11[%get3A_83, %get3A_84] : memref<64x32xf32, #tpu.memory_space<vmem>>, vector<64x32xf32>
    %dot_general3A_86 = arith.constant dense<0.000000e+00> : vector<1024x32xf32>
    %dot_general3A_87 = tpu.matmul %tanh3A_82, %get3A_85, %dot_general3A_86 {dimension_numbers = #tpu.dot_dimension_numbers<[1], [0], [0], [1], [0, 0, 1, 1], [], []>, transpose_lhs_hint = false} : vector<1024x64xf32>, vector<64x32xf32>, vector<1024x32xf32> -> vector<1024x32xf32>
    %get3A_88 = arith.constant 0 : index
    %get3A_89 = arith.constant 0 : index
    %get3A_90 = vector.load %arg12[%get3A_88, %get3A_89] : memref<1x32xf32, #tpu.memory_space<vmem>>, vector<1x32xf32>
    %add3A_91 = vector.broadcast %get3A_90 : vector<1x32xf32> to vector<1024x32xf32>
    %add3A_92 = arith.addf %dot_general3A_87, %add3A_91 : vector<1024x32xf32>
    %tanh3A_93 = math.tanh %add3A_92 : vector<1024x32xf32>
    %get3A_94 = arith.constant 0 : index
    %get3A_95 = arith.constant 0 : index
    %get3A_96 = vector.load %arg13[%get3A_94, %get3A_95] : memref<32x16xf32, #tpu.memory_space<vmem>>, vector<32x16xf32>
    %dot_general3A_97 = arith.constant dense<0.000000e+00> : vector<1024x16xf32>
    %dot_general3A_98 = tpu.matmul %tanh3A_93, %get3A_96, %dot_general3A_97 {dimension_numbers = #tpu.dot_dimension_numbers<[1], [0], [0], [1], [0, 0, 1, 1], [], []>, transpose_lhs_hint = false} : vector<1024x32xf32>, vector<32x16xf32>, vector<1024x16xf32> -> vector<1024x16xf32>
    %get3A_99 = arith.constant 0 : index
    %get3A_100 = arith.constant 0 : index
    %get3A_101 = vector.load %arg14[%get3A_99, %get3A_100] : memref<1x16xf32, #tpu.memory_space<vmem>>, vector<1x16xf32>
    %add3A_102 = vector.broadcast %get3A_101 : vector<1x16xf32> to vector<1024x16xf32>
    %add3A_103 = arith.addf %dot_general3A_98, %add3A_102 : vector<1024x16xf32>
    %tanh3A_104 = math.tanh %add3A_103 : vector<1024x16xf32>
    %get3A_105 = arith.constant 0 : index
    %get3A_106 = arith.constant 0 : index
    %get3A_107 = vector.load %arg15[%get3A_105, %get3A_106] : memref<1x16xf32, #tpu.memory_space<vmem>>, vector<1x16xf32>
    %mul3A_108 = vector.broadcast %get3A_107 : vector<1x16xf32> to vector<1024x16xf32>
    %mul3A_109 = arith.mulf %tanh3A_104, %mul3A_108 : vector<1024x16xf32>
    %reduce_sum3A = arith.constant dense<0.000000e+00> : vector<1024xf32>
    %reduce_sum3A_110 = vector.multi_reduction <add>, %mul3A_109, %reduce_sum3A [1] : vector<1024x16xf32> to vector<1024xf32>
    %broadcast_in_dim3A_111 = vector.shape_cast %reduce_sum3A_110 : vector<1024xf32> to vector<1024x1xf32>
    %get3A_112 = arith.constant 0 : index
    %get3A_113 = arith.constant 0 : index
    %get3A_114 = vector.load %arg16[%get3A_112, %get3A_113] : memref<1x8xf32, #tpu.memory_space<vmem>>, vector<1x1xf32>
    %add3A_115 = vector.broadcast %get3A_114 : vector<1x1xf32> to vector<1024x1xf32>
    %add3A_116 = arith.addf %broadcast_in_dim3A_111, %add3A_115 : vector<1024x1xf32>
    %iota3A = tpu.iota {dimensions = array<i32: 0>} : vector<1024x1xi32>
    %mul3A_117 = arith.constant 1024 : i32
    %mul3A_118 = arith.muli %arg0, %mul3A_117 : i32
    %add3A_119 = vector.broadcast %mul3A_118 : i32 to vector<1024x1xi32>
    %add3A_120 = arith.addi %iota3A, %add3A_119 : vector<1024x1xi32>
    %add3A_121 = arith.constant 0 : i32
    %add3A_122 = vector.broadcast %add3A_121 : i32 to vector<1024x1xi32>
    %add3A_123 = arith.addi %add3A_120, %add3A_122 : vector<1024x1xi32>
    %lt3A = arith.constant 10000 : i32
    %lt3A_124 = vector.broadcast %lt3A : i32 to vector<1024x1xi32>
    %lt3A_125 = arith.cmpi slt, %add3A_123, %lt3A_124 : vector<1024x1xi32>
    %jit3A = arith.constant 0.000000e+00 : f32
    %broadcast_in_dim3A_126 = vector.broadcast %jit3A : f32 to vector<1024x1xf32>
    %select_n3A_127 = arith.select %lt3A_125, %add3A_116, %broadcast_in_dim3A_126 : vector<1024x1xi1>, vector<1024x1xf32>
    %eq3A_128 = arith.constant 0 : i32
    %eq3A_129 = arith.cmpi eq, %arg0, %eq3A_128 : i32
    %convert_element_type3A = arith.extui %eq3A_129 : i1 to i32
    %cond3A = arith.constant 0 : i32
    %cond3A_130 = arith.cmpi ne, %convert_element_type3A, %cond3A : i32
    scf.if %cond3A_130 {
      %broadcast_in_dim3A_248 = arith.constant 0.000000e+00 : f32
      %broadcast_in_dim3A_249 = vector.broadcast %broadcast_in_dim3A_248 : f32 to vector<1x128xf32>
      %swap3A_250 = arith.constant 0 : index
      %swap3A_251 = arith.constant 0 : index
      %swap3A_252 = vector.load %arg18[%swap3A_250, %swap3A_251] : memref<1x128xf32, #tpu.memory_space<vmem>>, vector<1x128xf32>
      tpu.vector_store %arg18[%swap3A_250, %swap3A_251], %broadcast_in_dim3A_249 {strides = array<i32>} : memref<1x128xf32, #tpu.memory_space<vmem>>, vector<1x128xf32>,
    } else {
    }
    %get3A_131 = arith.constant 0 : index
    %get3A_132 = arith.constant 0 : index
    %get3A_133 = vector.load %arg18[%get3A_131, %get3A_132] : memref<1x128xf32, #tpu.memory_space<vmem>>, vector<1x128xf32>
    %reduce_sum3A_134 = vector.shape_cast %select_n3A_127 : vector<1024x1xf32> to vector<1x1024x1xf32>
    %reduce_sum3A_135 = arith.constant dense<0.000000e+00> : vector<1xf32>
    %reduce_sum3A_136 = vector.multi_reduction <add>, %reduce_sum3A_134, %reduce_sum3A_135 [1, 2] : vector<1x1024x1xf32> to vector<1xf32>
    %reduce_sum3A_137 = vector.shape_cast %reduce_sum3A_136 : vector<1xf32> to vector<1x1x1xf32>
    %reduce_sum3A_138 = vector.extract %reduce_sum3A_137[0, 0, 0] : f32 from vector<1x1x1xf32>
    %reshape3A = vector.broadcast %reduce_sum3A_138 : f32 to vector<1x1xf32>
    %broadcast_in_dim3A_139 = vector.shape_cast %reshape3A : vector<1x1xf32> to vector<1x1xf32>
    %broadcast_in_dim3A_140 = vector.broadcast %broadcast_in_dim3A_139 : vector<1x1xf32> to vector<1x128xf32>
    %add3A_141 = arith.addf %get3A_133, %broadcast_in_dim3A_140 : vector<1x128xf32>
    %swap3A = arith.constant 0 : index
    %swap3A_142 = arith.constant 0 : index
    %swap3A_143 = vector.load %arg18[%swap3A, %swap3A_142] : memref<1x128xf32, #tpu.memory_space<vmem>>, vector<1x128xf32>
    tpu.vector_store %arg18[%swap3A, %swap3A_142], %add3A_141 {strides = array<i32>} : memref<1x128xf32, #tpu.memory_space<vmem>>, vector<1x128xf32>,
    %mul3A_144 = arith.mulf %tanh3A_104, %tanh3A_104 : vector<1024x16xf32>
    %sub3A_145 = arith.constant 1.000000e+00 : f32
    %sub3A_146 = vector.broadcast %sub3A_145 : f32 to vector<1024x16xf32>
    %sub3A_147 = arith.subf %sub3A_146, %mul3A_144 : vector<1024x16xf32>
    %get3A_148 = arith.constant 0 : index
    %get3A_149 = arith.constant 0 : index
    %get3A_150 = vector.load %arg15[%get3A_148, %get3A_149] : memref<1x16xf32, #tpu.memory_space<vmem>>, vector<1x16xf32>
    %mul3A_151 = vector.broadcast %get3A_150 : vector<1x16xf32> to vector<1024x16xf32>
    %mul3A_152 = arith.mulf %sub3A_147, %mul3A_151 : vector<1024x16xf32>
    %get3A_153 = arith.constant 0 : index
    %get3A_154 = arith.constant 0 : index
    %get3A_155 = vector.load %arg13[%get3A_153, %get3A_154] : memref<32x16xf32, #tpu.memory_space<vmem>>, vector<32x16xf32>
    %dot_general3A_156 = arith.constant dense<0.000000e+00> : vector<1024x32xf32>
    %dot_general3A_157 = tpu.matmul %mul3A_152, %get3A_155, %dot_general3A_156 {dimension_numbers = #tpu.dot_dimension_numbers<[1], [1], [0], [0], [0, 0, 1, 0], [], []>, transpose_lhs_hint = false} : vector<1024x16xf32>, vector<32x16xf32>, vector<1024x32xf32> -> vector<1024x32xf32>
    %mul3A_158 = arith.mulf %tanh3A_93, %tanh3A_93 : vector<1024x32xf32>
    %sub3A_159 = arith.constant 1.000000e+00 : f32
    %sub3A_160 = vector.broadcast %sub3A_159 : f32 to vector<1024x32xf32>
    %sub3A_161 = arith.subf %sub3A_160, %mul3A_158 : vector<1024x32xf32>
    %mul3A_162 = arith.mulf %dot_general3A_157, %sub3A_161 : vector<1024x32xf32>
    %get3A_163 = arith.constant 0 : index
    %get3A_164 = arith.constant 0 : index
    %get3A_165 = vector.load %arg11[%get3A_163, %get3A_164] : memref<64x32xf32, #tpu.memory_space<vmem>>, vector<64x32xf32>
    %dot_general3A_166 = arith.constant dense<0.000000e+00> : vector<1024x64xf32>
    %dot_general3A_167 = tpu.matmul %mul3A_162, %get3A_165, %dot_general3A_166 {dimension_numbers = #tpu.dot_dimension_numbers<[1], [1], [0], [0], [0, 0, 1, 0], [], []>, transpose_lhs_hint = false} : vector<1024x32xf32>, vector<64x32xf32>, vector<1024x64xf32> -> vector<1024x64xf32>
    %mul3A_168 = arith.mulf %tanh3A_82, %tanh3A_82 : vector<1024x64xf32>
    %sub3A_169 = arith.constant 1.000000e+00 : f32
    %sub3A_170 = vector.broadcast %sub3A_169 : f32 to vector<1024x64xf32>
    %sub3A_171 = arith.subf %sub3A_170, %mul3A_168 : vector<1024x64xf32>
    %mul3A_172 = arith.mulf %dot_general3A_167, %sub3A_171 : vector<1024x64xf32>
    %get3A_173 = arith.constant 0 : index
    %get3A_174 = arith.constant 0 : index
    %get3A_175 = vector.load %arg9[%get3A_173, %get3A_174] : memref<128x64xf32, #tpu.memory_space<vmem>>, vector<128x64xf32>
    %dot_general3A_176 = arith.constant dense<0.000000e+00> : vector<1024x128xf32>
    %dot_general3A_177 = tpu.matmul %mul3A_172, %get3A_175, %dot_general3A_176 {dimension_numbers = #tpu.dot_dimension_numbers<[1], [1], [0], [0], [0, 0, 1, 0], [], []>, transpose_lhs_hint = false} : vector<1024x64xf32>, vector<128x64xf32>, vector<1024x128xf32> -> vector<1024x128xf32>
    %mul3A_178 = arith.mulf %tanh3A_71, %tanh3A_71 : vector<1024x128xf32>
    %sub3A_179 = arith.constant 1.000000e+00 : f32
    %sub3A_180 = vector.broadcast %sub3A_179 : f32 to vector<1024x128xf32>
    %sub3A_181 = arith.subf %sub3A_180, %mul3A_178 : vector<1024x128xf32>
    %mul3A_182 = arith.mulf %dot_general3A_177, %sub3A_181 : vector<1024x128xf32>
    %get3A_183 = arith.constant 0 : index
    %get3A_184 = arith.constant 0 : index
    %get3A_185 = vector.load %arg7[%get3A_183, %get3A_184] : memref<256x128xf32, #tpu.memory_space<vmem>>, vector<256x128xf32>
    %dot_general3A_186 = arith.constant dense<0.000000e+00> : vector<1024x256xf32>
    %dot_general3A_187 = tpu.matmul %mul3A_182, %get3A_185, %dot_general3A_186 {dimension_numbers = #tpu.dot_dimension_numbers<[1], [1], [0], [0], [0, 0, 1, 0], [], []>, transpose_lhs_hint = false} : vector<1024x128xf32>, vector<256x128xf32>, vector<1024x256xf32> -> vector<1024x256xf32>
    %mul3A_188 = arith.mulf %tanh3A, %tanh3A : vector<1024x256xf32>
    %sub3A_189 = arith.constant 1.000000e+00 : f32
    %sub3A_190 = vector.broadcast %sub3A_189 : f32 to vector<1024x256xf32>
    %sub3A_191 = arith.subf %sub3A_190, %mul3A_188 : vector<1024x256xf32>
    %mul3A_192 = arith.mulf %dot_general3A_187, %sub3A_191 : vector<1024x256xf32>
    %get3A_193 = arith.constant 0 : index
    %get3A_194 = arith.constant 0 : index
    %get3A_195 = vector.load %arg5[%get3A_193, %get3A_194] : memref<128x256xf32, #tpu.memory_space<vmem>>, vector<128x256xf32>
    %dot_general3A_196 = arith.constant dense<0.000000e+00> : vector<1024x128xf32>
    %dot_general3A_197 = tpu.matmul %mul3A_192, %get3A_195, %dot_general3A_196 {dimension_numbers = #tpu.dot_dimension_numbers<[1], [1], [0], [0], [0, 0, 1, 0], [], []>, transpose_lhs_hint = false} : vector<1024x256xf32>, vector<128x256xf32>, vector<1024x128xf32> -> vector<1024x128xf32>
    %mul3A_198 = arith.mulf %dot_general3A_197, %select_n3A_48 : vector<1024x128xf32>
    %slice3A_199 = vector.extract_strided_slice %mul3A_198 {offsets = [0, 0], sizes = [1024, 32], strides = [1, 1]} : vector<1024x128xf32> to vector<1024x32xf32>
    %slice3A_200 = vector.extract_strided_slice %mul3A_198 {offsets = [0, 32], sizes = [1024, 32], strides = [1, 1]} : vector<1024x128xf32> to vector<1024x32xf32>
    %slice3A_201 = vector.extract_strided_slice %mul3A_198 {offsets = [0, 64], sizes = [1024, 32], strides = [1, 1]} : vector<1024x128xf32> to vector<1024x32xf32>
    %slice3A_202 = vector.extract_strided_slice %mul3A_198 {offsets = [0, 96], sizes = [1024, 32], strides = [1, 1]} : vector<1024x128xf32> to vector<1024x32xf32>
    %mul3A_203 = arith.mulf %slice3A_200, %slice3A_7 : vector<1024x32xf32>
    %mul3A_204 = arith.mulf %slice3A_201, %slice3A_8 : vector<1024x32xf32>
    %add3A_205 = arith.addf %mul3A_203, %mul3A_204 : vector<1024x32xf32>
    %mul3A_206 = arith.mulf %slice3A_202, %slice3A_9 : vector<1024x32xf32>
    %add3A_207 = arith.addf %add3A_205, %mul3A_206 : vector<1024x32xf32>
    %mul3A_208 = arith.mulf %slice3A_199, %div3A_20 : vector<1024x32xf32>
    %mul3A_209 = arith.mulf %mul3A_208, %div3A_17 : vector<1024x32xf32>
    %mul3A_210 = arith.constant 2.000000e+00 : f32
    %mul3A_211 = vector.broadcast %mul3A_210 : f32 to vector<1024x32xf32>
    %mul3A_212 = arith.mulf %mul3A_211, %add3A_207 : vector<1024x32xf32>
    %mul3A_213 = arith.mulf %mul3A_212, %div3A_17 : vector<1024x32xf32>
    %mul3A_214 = arith.mulf %mul3A_213, %div3A_17 : vector<1024x32xf32>
    %add3A_215 = arith.addf %mul3A_209, %mul3A_214 : vector<1024x32xf32>
    %mul3A_216 = arith.mulf %slice3A_200, %div3A_17 : vector<1024x32xf32>
    %mul3A_217 = arith.mulf %slice3A_7, %add3A_215 : vector<1024x32xf32>
    %sub3A_218 = arith.subf %mul3A_216, %mul3A_217 : vector<1024x32xf32>
    %mul3A_219 = arith.mulf %slice3A_201, %div3A_17 : vector<1024x32xf32>
    %mul3A_220 = arith.mulf %slice3A_8, %add3A_215 : vector<1024x32xf32>
    %sub3A_221 = arith.subf %mul3A_219, %mul3A_220 : vector<1024x32xf32>
    %mul3A_222 = arith.mulf %slice3A_202, %div3A_17 : vector<1024x32xf32>
    %mul3A_223 = arith.mulf %slice3A_9, %add3A_215 : vector<1024x32xf32>
    %sub3A_224 = arith.subf %mul3A_222, %mul3A_223 : vector<1024x32xf32>
    %neg3A = arith.constant 0.000000e+00 : f32
    %neg3A_225 = vector.broadcast %neg3A : f32 to vector<1024x32xf32>
    %neg3A_226 = arith.subf %neg3A_225, %sub3A_218 : vector<1024x32xf32>
    %neg3A_227 = arith.constant 0.000000e+00 : f32
    %neg3A_228 = vector.broadcast %neg3A_227 : f32 to vector<1024x32xf32>
    %neg3A_229 = arith.subf %neg3A_228, %sub3A_221 : vector<1024x32xf32>
    %neg3A_230 = arith.constant 0.000000e+00 : f32
    %neg3A_231 = vector.broadcast %neg3A_230 : f32 to vector<1024x32xf32>
    %neg3A_232 = arith.subf %neg3A_231, %sub3A_224 : vector<1024x32xf32>
    %reduce_sum3A_233 = arith.constant dense<0.000000e+00> : vector<1024xf32>
    %reduce_sum3A_234 = vector.multi_reduction <add>, %sub3A_218, %reduce_sum3A_233 [1] : vector<1024x32xf32> to vector<1024xf32>
    %broadcast_in_dim3A_235 = vector.shape_cast %reduce_sum3A_234 : vector<1024xf32> to vector<1024x1xf32>
    %reduce_sum3A_236 = arith.constant dense<0.000000e+00> : vector<1024xf32>
    %reduce_sum3A_237 = vector.multi_reduction <add>, %sub3A_221, %reduce_sum3A_236 [1] : vector<1024x32xf32> to vector<1024xf32>
    %broadcast_in_dim3A_238 = vector.shape_cast %reduce_sum3A_237 : vector<1024xf32> to vector<1024x1xf32>
    %reduce_sum3A_239 = arith.constant dense<0.000000e+00> : vector<1024xf32>
    %reduce_sum3A_240 = vector.multi_reduction <add>, %sub3A_224, %reduce_sum3A_239 [1] : vector<1024x32xf32> to vector<1024xf32>
    %broadcast_in_dim3A_241 = vector.shape_cast %reduce_sum3A_240 : vector<1024xf32> to vector<1024x1xf32>
    %broadcast_in_dim3A_242 = arith.constant 0.000000e+00 : f32
    %broadcast_in_dim3A_243 = vector.broadcast %broadcast_in_dim3A_242 : f32 to vector<1024x29xf32>
    %concatenate3A_244 = tpu.concatenate %neg3A_226, %neg3A_229, %neg3A_232, %broadcast_in_dim3A_235, %broadcast_in_dim3A_238, %broadcast_in_dim3A_241, %broadcast_in_dim3A_243 in 1 : vector<1024x32xf32>, vector<1024x32xf32>, vector<1024x32xf32>, vector<1024x1xf32>, vector<1024x1xf32>, vector<1024x1xf32>, vector<1024x29xf32> -> vector<1024x128xf32>
    %swap3A_245 = arith.constant 0 : index
    %swap3A_246 = arith.constant 0 : index
    %swap3A_247 = vector.load %arg17[%swap3A_245, %swap3A_246] : memref<1024x128xf32, #tpu.memory_space<vmem>>, vector<1024x128xf32>
    tpu.vector_store %arg17[%swap3A_245, %swap3A_246], %concatenate3A_244 {strides = array<i32>} : memref<1024x128xf32, #tpu.memory_space<vmem>>, vector<1024x128xf32>,
    return
  }
  func.func @transform_0(%arg0: i32) -> (i32, i32) {
    %c0_i32 = arith.constant 0 : i32
    %c0_i32_0 = arith.constant 0 : i32
    return %arg0, %c0_i32 : i32, i32
  }
  func.func @transform_1(%arg0: i32) -> (i32, i32) {
    %c0_i32 = arith.constant 0 : i32
    %c0_i32_0 = arith.constant 0 : i32
    %c0_i32_1 = arith.constant 0 : i32
    return %c0_i32, %c0_i32_0 : i32, i32
  }
  func.func @transform_2(%arg0: i32) -> (i32, i32) {
    %c0_i32 = arith.constant 0 : i32
    %c0_i32_0 = arith.constant 0 : i32
    %c0_i32_1 = arith.constant 0 : i32
    return %c0_i32, %c0_i32_0 : i32, i32
  }
  func.func @transform_3(%arg0: i32) -> (i32, i32) {
    %c0_i32 = arith.constant 0 : i32
    %c0_i32_0 = arith.constant 0 : i32
    %c0_i32_1 = arith.constant 0 : i32
    return %c0_i32, %c0_i32_0 : i32, i32
  }
  func.func @transform_4(%arg0: i32) -> (i32, i32) {
    %c0_i32 = arith.constant 0 : i32
    %c0_i32_0 = arith.constant 0 : i32
    %c0_i32_1 = arith.constant 0 : i32
    return %c0_i32, %c0_i32_0 : i32, i32
  }
  func.func @transform_5(%arg0: i32) -> (i32, i32) {
    %c0_i32 = arith.constant 0 : i32
    %c0_i32_0 = arith.constant 0 : i32
    %c0_i32_1 = arith.constant 0 : i32
    return %c0_i32, %c0_i32_0 : i32, i32
  }
  func.func @transform_6(%arg0: i32) -> (i32, i32) {
    %c0_i32 = arith.constant 0 : i32
    %c0_i32_0 = arith.constant 0 : i32
    %c0_i32_1 = arith.constant 0 : i32
    return %c0_i32, %c0_i32_0 : i32, i32
  }
  func.func @transform_7(%arg0: i32) -> (i32, i32) {
    %c0_i32 = arith.constant 0 : i32
    %c0_i32_0 = arith.constant 0 : i32
    %c0_i32_1 = arith.constant 0 : i32
    return %c0_i32, %c0_i32_0 : i32, i32
  }
  func.func @transform_8(%arg0: i32) -> (i32, i32) {
    %c0_i32 = arith.constant 0 : i32
    %c0_i32_0 = arith.constant 0 : i32
    %c0_i32_1 = arith.constant 0 : i32
    return %c0_i32, %c0_i32_0 : i32, i32
  }
  func.func @transform_9(%arg0: i32) -> (i32, i32) {
    %c0_i32 = arith.constant 0 : i32
    %c0_i32_0 = arith.constant 0 : i32
    %c0_i32_1 = arith.constant 0 : i32
    return %c0_i32, %c0_i32_0 : i32, i32
  }
  func.func @transform_10(%arg0: i32) -> (i32, i32) {
    %c0_i32 = arith.constant 0 : i32
    %c0_i32_0 = arith.constant 0 : i32
    %c0_i32_1 = arith.constant 0 : i32
    return %c0_i32, %c0_i32_0 : i32, i32
  }
  func.func @transform_11(%arg0: i32) -> (i32, i32) {
    %c0_i32 = arith.constant 0 : i32
    %c0_i32_0 = arith.constant 0 : i32
    %c0_i32_1 = arith.constant 0 : i32
    return %c0_i32, %c0_i32_0 : i32, i32
  }
  func.func @transform_12(%arg0: i32) -> (i32, i32) {
    %c0_i32 = arith.constant 0 : i32
    %c0_i32_0 = arith.constant 0 : i32
    %c0_i32_1 = arith.constant 0 : i32
    return %c0_i32, %c0_i32_0 : i32, i32
  }
  func.func @transform_13(%arg0: i32) -> (i32, i32) {
    %c0_i32 = arith.constant 0 : i32
    %c0_i32_0 = arith.constant 0 : i32
    %c0_i32_1 = arith.constant 0 : i32
    return %c0_i32, %c0_i32_0 : i32, i32
  }
  func.func @transform_14(%arg0: i32) -> (i32, i32) {
    %c0_i32 = arith.constant 0 : i32
    %c0_i32_0 = arith.constant 0 : i32
    %c0_i32_1 = arith.constant 0 : i32
    return %c0_i32, %c0_i32_0 : i32, i32
  }
  func.func @transform_15(%arg0: i32) -> (i32, i32) {
    %c0_i32 = arith.constant 0 : i32
    %c0_i32_0 = arith.constant 0 : i32
    %c0_i32_1 = arith.constant 0 : i32
    return %c0_i32, %c0_i32_0 : i32, i32
  }
  func.func @transform_16(%arg0: i32) -> (i32, i32) {
    %c0_i32 = arith.constant 0 : i32
    %c0_i32_0 = arith.constant 0 : i32
    return %arg0, %c0_i32 : i32, i32
  }
  func.func @transform_17(%arg0: i32) -> (i32, i32) {
    %c0_i32 = arith.constant 0 : i32
    %c0_i32_0 = arith.constant 0 : i32
    %c0_i32_1 = arith.constant 0 : i32
    return %c0_i32, %c0_i32_0 : i32, i32
  }
}

</mosaic_0001>

<sc_bundles>
// kernel: kernel.11.cloned.1.call-start
scs
__scs_entry_jumppad:
0x0: {  	(pc) =	sbr.rel $0x88, $3  }
0x1: {  	(tag) =	ssettag $0x0;
	lr =	simm.s32 $0x1  }
0x2: {  	[smem:$0x3F90] =	sst lr;
	_ =	strace $0xD0000000  }
0x3: {  	_ = 	snop  }
0x4: {  	_ = 	snop  }
0x5: {  	_ = 	snop  }
0x6: {  	_ = 	snop  }
0x7: {  	_ = 	snop  }
__scs_overlays_trampoline_lowered:
0x8: {  	[smem:$0x3F9F] =	sst s0  }
0x9: {  	[smem:$0x3FA0] =	sst s1  }
0xa: {  	[smem:$0x3FA1] =	sst s2  }
0xb: {  	[smem:$0x3FA2] =	sst s3  }
0xc: {  	[smem:$0x3FA3] =	sst s4  }
0xd: {  	[smem:$0x3FA4] =	sst s5  }
0xe: {  	[smem:$0x3FA5] =	sst s6  }
0xf: {  	[smem:$0x3FA6] =	sst s7  }
0x10: {  	[smem:$0x3FA7] =	sst s8  }
0x11: {  	[smem:$0x3FA8] =	sst s9;
	s0 =	simm.s32 @!p0 $0x0  }
0x12: {  	s1 =	sld [smem:$0x3F8E];
	s0 =	simm.s32 @p0 $0x1  }
0x13: {  	[smem:$0x3FA9] =	sst s0;
	s0 =	simm.s32 @!p1 $0x0  }
0x14: {  	s2 =	sld [smem:$0x3F8D];
	s0 =	simm.s32 @p1 $0x1  }
0x15: {  	[smem:$0x3FAA] =	sst s0;
	s0 =	simm.s32 @!p2 $0x0  }
0x16: {  	s3 =	sld [smem:$0x3FDB];
	s0 =	simm.s32 @p2 $0x1  }
0x17: {  	s4 =	simm.s32 $0x1BF5;
	[smem:$0x3FAC] =	sst s0  }
0x18: {  	s0 =	sld [smem:$0x3F8F];
	_ =	swait.ge [sflag:s4], $0x0  }
0x19: {  	s7 =	sld [smem:$0x3F90]  }
0x1a: {  	s8 =	sadd.s32 $0xFFFFE003, lr  }
0x1b: {  	s9 =	sadd.s32 $0xFFFFFEF7, lr;
	s5 =	simm.s32 $0xFFFFFFFF;
	p2 =	slt.u32 s8, $0xFFFFF086  }
0x1c: {  	p1 =	slt.u32 s9, $0xF7A;
	s5 =	simm.s32 @!p2 $0x0  }
0x1d: {  	s5 =	simm.s32 @p1 $0x1;
	p0 =	seq.s32 s7, s2  }
0x1e: {  	s7 =	smul.u32 @!p0 $0xF7A, s2;
	p2 =	seq.s32 @!p0 s5, $0x0  }
0x1f: {  	s9 =	smul.u32 $0xF7A, s1;
	s8 =	simm.s32 @!p0 $0x1BF5;
	p2 =	por !p2, p0  }
0x20: {  	[sflag:s8] =	ssyncset.s32 @!p0 $0xFFFFF086;
	s6 =	sadd.s32 @!p0 s3, s7;
	s7 =	simm.s32 @!p0 $0x108  }
0x21: {  	s3 =	sadd.s32 s3, s9;
	s6 =	sadd.s32 @!p0 $0x88, s6;
	s7 =	simm.s32 @p2 $0x1082  }
0x22: {  	[simem:s7], [sflag:s8] =	dma.local @!p0 [hbm:s6], $0xF7A  }
0x23: {  	s9 =	sor.u32 $0xD0000000, s2;
	s6 =	simm.s32 $0x108;
	_ =	swait.ge @!p0 [sflag:s8], $0x0  }
0x24: {  	s3 =	sadd.s32 $0x88, s3;
	s6 =	simm.s32 @!p1 $0x1082;
	[sflag:s4] =	ssyncset.s32 $0xFFFFF086  }
0x25: {  	[simem:s6], [sflag:s4] =	dma.local [hbm:s3], $0xF7A  }
0x26: {  	[smem:$0x3F90] =	sst s1;
	(tag) =	ssettag s2;
	_ =	strace s9  }
0x27: {  	s1 =	sld [smem:$0x3FA0]  }
0x28: {  	s2 =	sld [smem:$0x3FA1]  }
0x29: {  	s4 =	sld [smem:$0x3FA3]  }
0x2a: {  	p0 =	seq.s32 s5, $0x0;
	s5 =	sld [smem:$0x3FA4]  }
0x2b: {  	s6 =	sld [smem:$0x3FA5]  }
0x2c: {  	s7 =	sld [smem:$0x3FA6]  }
0x2d: {  	s3 =	simm.s32 $0x108;
	s8 =	sld [smem:$0x3FA7]  }
0x2e: {  	s3 =	simm.s32 @!p0 $0x1082;
	s9 =	sld [smem:$0x3FA8]  }
0x2f: {  	lr =	sadd.s32 s0, s3;
	s0 =	sld [smem:$0x3F9F]  }
0x30: {  	s3 =	sld [smem:$0x3FA2]  }
0x31: {  	[smem:$0x3FAB] =	sst s10  }
0x32: {  	s10 =	sld [smem:$0x3FA9];
	_ =	sdelay $0x3  }
0x33: {  	p0 =	seq.s32 s10, $0x1;
	s10 =	sld [smem:$0x3FAB];
	_ =	sdelay $0x3  }
0x34: {  	[smem:$0x3FAB] =	sst s10  }
0x35: {  	s10 =	sld [smem:$0x3FAA];
	_ =	sdelay $0x3  }
0x36: {  	p1 =	seq.s32 s10, $0x1;
	s10 =	sld [smem:$0x3FAB];
	_ =	sdelay $0x3  }
0x37: {  	[smem:$0x3FAB] =	sst s10  }
0x38: {  	s10 =	sld [smem:$0x3FAC]  }
0x39: {  	_ = 	snop;
	(pc) =	sbr.ind lr, $3  }
0x3a: {  	_ = 	snop  }
0x3b: {  	_ = 	snop  }
0x3c: {  	p2 =	seq.s32 s10, $0x1;
	s10 =	sld [smem:$0x3FAB]  }
0x3d: {  	_ =	shalt  }
0x3e: {  	_ =	shalt  }
0x3f: {  	_ =	shalt  }
0x40: {  	_ =	shalt  }
0x41: {  	_ =	shalt  }
0x42: {  	_ =	shalt  }
0x43: {  	_ =	shalt  }
0x44: {  	_ =	shalt  }
0x45: {  	_ =	shalt  }
0x46: {  	_ =	shalt  }
0x47: {  	_ =	shalt  }
0x48: {  	_ =	shalt  }
0x49: {  	_ =	shalt  }
0x4a: {  	_ =	shalt  }
0x4b: {  	_ =	shalt  }
0x4c: {  	_ =	shalt  }
0x4d: {  	_ =	shalt  }
0x4e: {  	_ =	shalt  }
0x4f: {  	_ =	shalt  }
0x50: {  	_ =	shalt  }
0x51: {  	_ =	shalt  }
0x52: {  	_ =	shalt  }
0x53: {  	_ =	shalt  }
0x54: {  	_ =	shalt  }
0x55: {  	_ =	shalt  }
0x56: {  	_ =	shalt  }
0x57: {  	_ =	shalt  }
0x58: {  	_ =	shalt  }
0x59: {  	_ =	shalt  }
0x5a: {  	_ =	shalt  }
0x5b: {  	_ =	shalt  }
0x5c: {  	_ =	shalt  }
0x5d: {  	_ =	shalt  }
0x5e: {  	_ =	shalt  }
0x5f: {  	_ =	shalt  }
0x60: {  	_ =	shalt  }
0x61: {  	_ =	shalt  }
0x62: {  	_ =	shalt  }
0x63: {  	_ =	shalt  }
0x64: {  	_ =	shalt  }
0x65: {  	_ =	shalt  }
0x66: {  	_ =	shalt  }
0x67: {  	_ =	shalt  }
0x68: {  	_ =	shalt  }
0x69: {  	_ =	shalt  }
0x6a: {  	_ =	shalt  }
0x6b: {  	_ =	shalt  }
0x6c: {  	_ =	shalt  }
0x6d: {  	_ =	shalt  }
0x6e: {  	_ =	shalt  }
0x6f: {  	_ =	shalt  }
0x70: {  	_ =	shalt  }
0x71: {  	_ =	shalt  }
0x72: {  	_ =	shalt  }
0x73: {  	_ =	shalt  }
0x74: {  	_ =	shalt  }
0x75: {  	_ =	shalt  }
0x76: {  	_ =	shalt  }
0x77: {  	_ =	shalt  }
0x78: {  	_ =	shalt  }
0x79: {  	_ =	shalt  }
0x7a: {  	_ =	shalt  }
0x7b: {  	_ =	shalt  }
0x7c: {  	_ =	shalt  }
0x7d: {  	_ =	shalt  }
0x7e: {  	_ =	shalt  }
0x7f: {  	_ =	shalt  }
0x80: {  	_ =	shalt  }
0x81: {  	_ =	shalt  }
0x82: {  	_ =	shalt  }
0x83: {  	_ =	shalt  }
0x84: {  	_ =	shalt  }
0x85: {  	_ =	shalt  }
0x86: {  	_ =	shalt  }
0x87: {  	_ =	shalt  }
.Lfunc_end0:
.L_simem_size_0:
called_computation.1_lowered:
.L_overlay_start_0:
0x88: {  	s2 =	sld [smem:$0x3FD9]  }
0x89: {  	s3 =	sld [smem:$0x3FFE];
	_ =	sdelay $0x1  }
0x8a: {  	s1 =	srdreg.scid  }
0x8b: {  	s0 =	sand.u32 $0x1, s1  }
0x8c: {  	s16 =	sshll.u32 s0, $0xA;
	s2 =	sadd.s32 s3, s2  }
0x8d: {  	s2 =	sadd.s32 s2, s16  }
0x8e: {  	[smem:$0x3FB7] =	sst s2  }
0x8f: {  	_ = 	snop  }
0x90: {  	(tm) =	ssettm $0x1  }
0x91: {  	s17 =	sld [smem:$0x3FFB];
	_ =	sdelay $0x3  }
0x92: {  	_ =	strace s17  }
0x93: {  	s2 =	sld [smem:$0x3FFC];
	_ =	sdelay $0x3  }
0x94: {  	_ =	strace s2  }
0x95: {  	s2 =	sld [smem:$0x3FFD];
	_ =	sdelay $0x3  }
0x96: {  	_ =	strace s2  }
0x97: {  	_ =	strace $0x8FFFFFFF  }
0x98: {  	s18 =	sld [smem:$0x3FDB];
	_ =	sdelay $0x1  }
0x99: {  	s19 =	simm.s32 $_scs_section_size  }
0x9a: {  	s4 =	simm.s32 $_size__tile_overlayer_lowered;
	s5 =	simm.s32 $_tile_overlayer_lowered  }
0x9b: {  	s22 =	simm.s32 $0x1BFF;
	s21 =	sshll.u32 s5, $0x1;
	s2 =	sadd.s32 s19, s18  }
0x9c: {  	s6 =	simm.s32 $0x0;
	s20 =	sshll.u32 s4, $0x1;
	s4 =	sadd.s32 s21, s2  }
0x9d: {  	[timem:s6], [sflag:s22] =	dma.local [hbm:s4], s20  }
0x9e: {  	_ =	swait.ge [sflag:s22], s20  }
0x9f: {  	s3 =	ssub.s32 $0x0, s20;
	[sflag:s22] =	ssyncset.done $0x0  }
0xa0: {  	[sflag:s22] =	ssyncadd.s32 s3;
	_ =	sdelay $0x1  }
0xa1: {  	s23 =	simm.s32 $0x1B8B  }
0xa2: {  	_ =	swait.ge [sflag:s23], $0x1  }
0xa3: {  	[sflag:s23] =	ssyncset.done $0x0  }
0xa4: {  	s25 =	simm.s32 $0x1B8E;
	s24 =	sld [smem:$0x3FFE];
	[sflag:s23] =	ssyncadd.s32 $0xFFFFFFFF  }
0xa5: {  	s26 =	simm.s32 $execute0_lowered;
	[smem:$0x3FD2] =	sst s25  }
0xa6: {  	s4 =	sshll.u32 s26, $0x1;
	_ =	strace $0x80000046;
	[dreg:$0x1] =	wrdreg $0xFFFFFFFF  }
0xa7: {  	s28 =	simm.s32 $_size_execute0_lowered;
	s2 =	sadd.s32 s2, s4;
	[dreg:$0x0] =	wrdreg $0x0  }
0xa8: {  	s4 =	sshll.u32 s28, $0x1;
	[dreg:$0x2] =	wrdreg s2  }
0xa9: {  	[dreg:$0x3] =	wrdreg s4  }
0xaa: {  	[dreg:$0x4] =	wrdreg $0xC0  }
0xab: {  	_ =	task [dreg:s6], $0x5FFFF  }
0xac: {  	[dreg:$0x1] =	wrdreg $0xFFFFFFFF  }
0xad: {  	[dreg:$0x0] =	wrdreg $0x60  }
0xae: {  	[dreg:$0x2] =	wrdreg s24  }
0xaf: {  	[dreg:$0x3] =	wrdreg $0xA0000  }
0xb0: {  	[dreg:$0x4] =	wrdreg $0xA  }
0xb1: {  	_ =	task.clear_ibuf [dreg:s6], $0x5FFFF;
	_ =	strace $0x90000046  }
0xb2: {  	s29 =	simm.s32 $0xA;
	_ =	strace $0x80000048  }
0xb3: {  	_ =	swait.ge [sflag:s29], $0x1  }
0xb4: {  	[sflag:s29] =	ssyncadd.s32 $0xFFFFFFFF  }
0xb5: {  	_ =	strace $0x90000048  }
0xb6: {  	_ =	sfence  }
0xb7: {  	s30 =	sld [smem:$0x0];
	_ =	sdelay $0x2  }
0xb8: {  	s31 =	sshll.u32 s1, $0xD;
	s1 =	sshrl.u32 s1, $0x2  }
0xb9: {  	s3 =	sand.u32 $0x4000, s31;
	s1 =	sadd.s32 s1, s30  }
0xba: {  	s0 =	sor.u32 s3, s0;
	s1 =	sshll.u32 s1, $0x11  }
0xbb: {  	s0 =	sor.u32 s1, s0  }
0xbc: {  	s0 =	sadd.s32 $0x8F2B, s0  }
0xbd: {  	[sflag:s0] =	ssyncadd.remote.s32 $0x1  }
0xbe: {  	_ =	sfence.sel $0xFFFF  }
0xbf: {  	[dreg:$0x0] =	wrdreg $0xFFFFFFFF;
	(pc) =	sbr.abs _section_cstart, $3  }
0xc0: {  	[dreg:$0x1] =	wrdreg $0xFFFFFFFF  }
0xc1: {  	_ =	task.clear_ibuf [dreg:s6], $0x2FFFF;
	_ =	strace $0x9FFFFFFF  }
0xc2: {  	(tm) =	ssettm $0x7FFFFFFF  }
0xc3: {  	_ =	shalt  }
tec
execute0_lowered:
.L_overlay_start_1:
0x0: {  	(tag) =	ssettag $0x1  }
0x1: {  	s0 =	srdreg.scid;
	s4 =	stileid.u32  }
0x2: {  	s5 =	sand.u32 $0x1, s0;
	s2 =	sshll.u32 s4, $0x1  }
0x3: {  	s6 =	sor.u32 s5, s2;
	s5 =	ssub.s32 $0x2, s5  }
0x4: {  	s7 =	sshrl.u32 s5, $0x1  }
0x5: {  	s5 =	ssub.s32 s5, s7  }
0x6: {  	s5 =	smax.u32 s5, $0x1  }
0x7: {  	s3 =	rddreg [dreg:$0x0];
	s12 =	sadd.s32 $0xFFFFFFFF, s5  }
0x8: {  	s1 =	rddreg [dreg:$0x1];
	s6 =	smul.u32 $0xA00, s6;
	p2 =	sne.s32 s12, $0x0  }
.Ltmp0:
0x9: {  	p1 =	por $0x0, $0x0;
	s0 =	rddreg [dreg:$0x2];
	(pc) =	sbr.rel @!p2 .LBB2_3-.Ltmp0, $4  }
0xa: {  	s8 =	sadd.s32 $0x17600, s3;
	p0 =	sne.s32 s4, $0x0;
	s2 =	simm.s32 $0x0  }
0xb: {  	s4 =	simm.s32 $0x2;
	[smem:$0x7FF] =	sst s2;
	s9 =	sadd.s32 s6, s3  }
0xc: {  	_ =	strace $0x80000047;
	s7 =	simm.s32 $0x1;
	s6 =	sadd.s32 $0x3600, s9  }
0xd: {  	s3 =	sadd.s32 $0x18A00, s9;
	s9 =	sshrl.u32 @!p0 s1, $0x3;
	s5 =	simm.s32 $0x5000  }
0xe: {  	s10 =	simm.s32 @!p0 $0x1C02;
	s11 =	simm.s32 @!p0 $0x2  }
0xf: {  	[spmem:s9], [sflag:s10] =	dma.local @!p0 [hbm:s8], $0x1390  }
0x10: {  	_ =	swait.ge @!p0 [sflag:s11], $0x1390  }
0x11: {  	[sflag:s11] =	ssyncset.done @!p0 $0x0  }
0x12: {  	[sflag:s11] =	ssyncadd.s32 @!p0 $0xFFFFEC70  }
0x13: {  	[tilespmem:s2], [sflag:$0x2] =	stream.linear.gather [hbm4b:s6+s2], $0x5000, $0x38;
	[tilespmem:$0xA9C8] =	vst v63  }
0x14: {  	_ =	swait.ge [sflag:s4], $0x5000  }
0x15: {  	[sflag:s4] =	ssyncset.done $0x0  }
0x16: {  	[sflag:s4] =	ssyncadd.s32 $0xFFFFB000  }
0x17: {  	s12 =	sadd.s32 $0xFFFFFFFF, s12;
	[bflag:$0x0] =	sbarrier.arrive $0xFFFF  }
0x18: {  	[tilespmem:s5], [sflag:$0x1] =	stream.indirect.gather [spmem:s1], $0x1, s2, s5, $0xb8;
	[tilespmem:$0xA9C8] =	vst v63  }
0x19: {  	p2 =	sne.s32 s12, $0x0;
	_ =	swait.ge [sflag:s7], $0x5000  }
.Ltmp1:
0x1a: {  	[sflag:s7] =	ssyncset.done $0x0;
	(pc) =	sbr.rel @!p2 .LBB2_3-.Ltmp1, $4  }
0x1b: {  	[sflag:s7] =	ssyncadd.s32 $0xFFFFB000  }
0x1c: {  	[hbm4b:s3+s2] =	stream.linear.scatter [tilespmem:s5], [sflag:$0x2], $0x5000, $0x38;
	[tilespmem:$0xA9C8] =	vst v63  }
0x1d: {  	_ =	swait.ge [sflag:s4], $0x5000  }
0x1e: {  	p1 =	por $0x1, $0x1;
	[sflag:s4] =	ssyncset.done $0x0  }
.LBB2_2:
0x1f: {  	[sflag:s4] =	ssyncadd.s32 $0xFFFFB000  }
0x20: {  	[spmem:s9], [sflag:s10] =	dma.local @!p0 [hbm:s8], $0x1390  }
0x21: {  	s12 =	sadd.s32 $0xFFFFFFFF, s12;
	_ =	swait.ge @!p0 [sflag:s11], $0x1390  }
0x22: {  	p2 =	sne.s32 s12, $0x0;
	[sflag:s11] =	ssyncset.done @!p0 $0x0  }
0x23: {  	[sflag:s11] =	ssyncadd.s32 @!p0 $0xFFFFEC70  }
0x24: {  	[tilespmem:s2], [sflag:$0x2] =	stream.linear.gather [hbm4b:s6+s2], $0x5000, $0x38;
	[tilespmem:$0xA9C8] =	vst v63  }
0x25: {  	_ =	swait.ge [sflag:s4], $0x5000  }
0x26: {  	[sflag:s4] =	ssyncset.done $0x0  }
0x27: {  	[sflag:s4] =	ssyncadd.s32 $0xFFFFB000  }
0x28: {  	[bflag:$0x0] =	sbarrier.arrive $0xFFFF  }
0x29: {  	[tilespmem:s5], [sflag:$0x1] =	stream.indirect.gather [spmem:s1], $0x1, s2, s5, $0xb8;
	[tilespmem:$0xA9C8] =	vst v63  }
0x2a: {  	_ =	swait.ge [sflag:s7], $0x5000  }
.Ltmp2:
0x2b: {  	[sflag:s7] =	ssyncset.done $0x0;
	(pc) =	sbr.rel @p2 .LBB2_2-.Ltmp2, $4  }
0x2c: {  	[sflag:s7] =	ssyncadd.s32 $0xFFFFB000  }
0x2d: {  	[hbm4b:s3+s2] =	stream.linear.scatter [tilespmem:s5], [sflag:$0x2], $0x5000, $0x38;
	[tilespmem:$0xA9C8] =	vst v63  }
0x2e: {  	_ =	swait.ge [sflag:s4], $0x5000  }
0x2f: {  	[sflag:s4] =	ssyncset.done $0x0  }
.LBB2_3:
0x30: {  	s10 =	simm.s32 @!p0 $0x1C02;
	s11 =	simm.s32 @!p0 $0x2;
	[sflag:s4] =	ssyncadd.s32 @p1 $0xFFFFB000  }
0x31: {  	[spmem:s9], [sflag:s10] =	dma.local @!p0 [hbm:s8], $0x1390  }
0x32: {  	_ =	swait.ge @!p0 [sflag:s11], $0x1390  }
0x33: {  	[sflag:s11] =	ssyncset.done @!p0 $0x0  }
0x34: {  	[sflag:s11] =	ssyncadd.s32 @!p0 $0xFFFFEC70  }
0x35: {  	[tilespmem:s2], [sflag:$0x2] =	stream.linear.gather [hbm4b:s6+s2], $0x5000, $0x38;
	[tilespmem:$0xA9C8] =	vst v63  }
0x36: {  	_ =	swait.ge [sflag:s4], $0x5000  }
0x37: {  	[sflag:s4] =	ssyncset.done $0x0  }
0x38: {  	[sflag:s4] =	ssyncadd.s32 $0xFFFFB000  }
0x39: {  	[bflag:$0x0] =	sbarrier.arrive $0xFFFF  }
0x3a: {  	[tilespmem:s5], [sflag:$0x1] =	stream.indirect.gather [spmem:s1], $0x1, s2, s5, $0xb8;
	[tilespmem:$0xA9C8] =	vst v63  }
0x3b: {  	_ =	swait.ge [sflag:s7], $0x5000  }
0x3c: {  	[sflag:s7] =	ssyncset.done $0x0  }
0x3d: {  	[sflag:s7] =	ssyncadd.s32 $0xFFFFB000  }
0x3e: {  	[hbm4b:s3+s2] =	stream.linear.scatter [tilespmem:s5], [sflag:$0x2], $0x5000, $0x38;
	[tilespmem:$0xA9C8] =	vst v63  }
0x3f: {  	_ =	swait.ge [sflag:s4], $0x5000  }
0x40: {  	[sflag:s4] =	ssyncset.done $0x0  }
0x41: {  	[sflag:s4] =	ssyncadd.s32 $0xFFFFB000  }
0x42: {  	_ =	sfence.sel $0x180000  }
0x43: {  	[bflag:$0x0] =	sbarrier.arrive $0xFFFF  }
0x44: {  	_ =	strace $0x90000047  }
0x45: {  	s0 =	sadd.s32 @!p0 $0x100000, s0;
	[bflag:$0x2] =	sbarrier.arrive $0xFFFF  }
0x46: {  	[sflag:s0] =	ssyncadd.tile.s32 @!p0 $0x1;
	_ =	shalt  }
.Lfunc_end2:
_tile_overlayer_lowered:
.L_overlay_start_2:
0x47: {  	(tag) =	ssettag $0x2  }
0x48: {  	s0 =	rddreg [dreg:$0x0];
	s2 =	stileid.u32  }
0x49: {  	s1 =	rddreg [dreg:$0x1];
	p0 =	sne.s32 s2, $0x0  }
0x4a: {  	s3 =	rddreg [dreg:$0x2];
	[bflag:$0x3] =	sbarrier.arrive $0xFFFF;
	s2 =	simm.s32 @!p0 $0x1C02  }
0x4b: {  	[timem:s3], [sflag:s2] =	dma.local @!p0 [hbm:s0], s1  }
0x4c: {  	s0 =	simm.s32 @!p0 $0x2  }
0x4d: {  	_ =	swait.ge @!p0 [sflag:s0], s1  }
0x4e: {  	s1 =	ssub.s32 @!p0 $0x0, s1;
	[sflag:s0] =	ssyncset.done @!p0 $0x0  }
0x4f: {  	[sflag:s0] =	ssyncadd.s32 @!p0 s1  }
0x50: {  	[bflag:$0x3] =	sbarrier.arrive $0xFFFF  }
0x51: {  	_ =	shalt  }

// kernel: kernel.14.cloned.1.call-start
scs
__scs_entry_jumppad:
0x0: {  	(pc) =	sbr.rel $0x88, $3  }
0x1: {  	(tag) =	ssettag $0x0;
	lr =	simm.s32 $0x1  }
0x2: {  	[smem:$0x3F90] =	sst lr;
	_ =	strace $0xD0000000  }
0x3: {  	_ = 	snop  }
0x4: {  	_ = 	snop  }
0x5: {  	_ = 	snop  }
0x6: {  	_ = 	snop  }
0x7: {  	_ = 	snop  }
__scs_overlays_trampoline_lowered:
0x8: {  	[smem:$0x3F9F] =	sst s0  }
0x9: {  	[smem:$0x3FA0] =	sst s1  }
0xa: {  	[smem:$0x3FA1] =	sst s2  }
0xb: {  	[smem:$0x3FA2] =	sst s3  }
0xc: {  	[smem:$0x3FA3] =	sst s4  }
0xd: {  	[smem:$0x3FA4] =	sst s5  }
0xe: {  	[smem:$0x3FA5] =	sst s6  }
0xf: {  	[smem:$0x3FA6] =	sst s7  }
0x10: {  	[smem:$0x3FA7] =	sst s8  }
0x11: {  	[smem:$0x3FA8] =	sst s9;
	s0 =	simm.s32 @!p0 $0x0  }
0x12: {  	s1 =	sld [smem:$0x3F8E];
	s0 =	simm.s32 @p0 $0x1  }
0x13: {  	[smem:$0x3FA9] =	sst s0;
	s0 =	simm.s32 @!p1 $0x0  }
0x14: {  	s2 =	sld [smem:$0x3F8D];
	s0 =	simm.s32 @p1 $0x1  }
0x15: {  	[smem:$0x3FAA] =	sst s0;
	s0 =	simm.s32 @!p2 $0x0  }
0x16: {  	s3 =	sld [smem:$0x3FDB];
	s0 =	simm.s32 @p2 $0x1  }
0x17: {  	s4 =	simm.s32 $0x1BF5;
	[smem:$0x3FAC] =	sst s0  }
0x18: {  	s0 =	sld [smem:$0x3F8F];
	_ =	swait.ge [sflag:s4], $0x0  }
0x19: {  	s7 =	sld [smem:$0x3F90]  }
0x1a: {  	s8 =	sadd.s32 $0xFFFFE003, lr  }
0x1b: {  	s9 =	sadd.s32 $0xFFFFFEF7, lr;
	s5 =	simm.s32 $0xFFFFFFFF;
	p2 =	slt.u32 s8, $0xFFFFF086  }
0x1c: {  	p1 =	slt.u32 s9, $0xF7A;
	s5 =	simm.s32 @!p2 $0x0  }
0x1d: {  	s5 =	simm.s32 @p1 $0x1;
	p0 =	seq.s32 s7, s2  }
0x1e: {  	s7 =	smul.u32 @!p0 $0xF7A, s2;
	p2 =	seq.s32 @!p0 s5, $0x0  }
0x1f: {  	s9 =	smul.u32 $0xF7A, s1;
	s8 =	simm.s32 @!p0 $0x1BF5;
	p2 =	por !p2, p0  }
0x20: {  	[sflag:s8] =	ssyncset.s32 @!p0 $0xFFFFF086;
	s6 =	sadd.s32 @!p0 s3, s7;
	s7 =	simm.s32 @!p0 $0x108  }
0x21: {  	s3 =	sadd.s32 s3, s9;
	s6 =	sadd.s32 @!p0 $0x88, s6;
	s7 =	simm.s32 @p2 $0x1082  }
0x22: {  	[simem:s7], [sflag:s8] =	dma.local @!p0 [hbm:s6], $0xF7A  }
0x23: {  	s9 =	sor.u32 $0xD0000000, s2;
	s6 =	simm.s32 $0x108;
	_ =	swait.ge @!p0 [sflag:s8], $0x0  }
0x24: {  	s3 =	sadd.s32 $0x88, s3;
	s6 =	simm.s32 @!p1 $0x1082;
	[sflag:s4] =	ssyncset.s32 $0xFFFFF086  }
0x25: {  	[simem:s6], [sflag:s4] =	dma.local [hbm:s3], $0xF7A  }
0x26: {  	[smem:$0x3F90] =	sst s1;
	(tag) =	ssettag s2;
	_ =	strace s9  }
0x27: {  	s1 =	sld [smem:$0x3FA0]  }
0x28: {  	s2 =	sld [smem:$0x3FA1]  }
0x29: {  	s4 =	sld [smem:$0x3FA3]  }
0x2a: {  	p0 =	seq.s32 s5, $0x0;
	s5 =	sld [smem:$0x3FA4]  }
0x2b: {  	s6 =	sld [smem:$0x3FA5]  }
0x2c: {  	s7 =	sld [smem:$0x3FA6]  }
0x2d: {  	s3 =	simm.s32 $0x108;
	s8 =	sld [smem:$0x3FA7]  }
0x2e: {  	s3 =	simm.s32 @!p0 $0x1082;
	s9 =	sld [smem:$0x3FA8]  }
0x2f: {  	lr =	sadd.s32 s0, s3;
	s0 =	sld [smem:$0x3F9F]  }
0x30: {  	s3 =	sld [smem:$0x3FA2]  }
0x31: {  	[smem:$0x3FAB] =	sst s10  }
0x32: {  	s10 =	sld [smem:$0x3FA9];
	_ =	sdelay $0x3  }
0x33: {  	p0 =	seq.s32 s10, $0x1;
	s10 =	sld [smem:$0x3FAB];
	_ =	sdelay $0x3  }
0x34: {  	[smem:$0x3FAB] =	sst s10  }
0x35: {  	s10 =	sld [smem:$0x3FAA];
	_ =	sdelay $0x3  }
0x36: {  	p1 =	seq.s32 s10, $0x1;
	s10 =	sld [smem:$0x3FAB];
	_ =	sdelay $0x3  }
0x37: {  	[smem:$0x3FAB] =	sst s10  }
0x38: {  	s10 =	sld [smem:$0x3FAC]  }
0x39: {  	_ = 	snop;
	(pc) =	sbr.ind lr, $3  }
0x3a: {  	_ = 	snop  }
0x3b: {  	_ = 	snop  }
0x3c: {  	p2 =	seq.s32 s10, $0x1;
	s10 =	sld [smem:$0x3FAB]  }
0x3d: {  	_ =	shalt  }
0x3e: {  	_ =	shalt  }
0x3f: {  	_ =	shalt  }
0x40: {  	_ =	shalt  }
0x41: {  	_ =	shalt  }
0x42: {  	_ =	shalt  }
0x43: {  	_ =	shalt  }
0x44: {  	_ =	shalt  }
0x45: {  	_ =	shalt  }
0x46: {  	_ =	shalt  }
0x47: {  	_ =	shalt  }
0x48: {  	_ =	shalt  }
0x49: {  	_ =	shalt  }
0x4a: {  	_ =	shalt  }
0x4b: {  	_ =	shalt  }
0x4c: {  	_ =	shalt  }
0x4d: {  	_ =	shalt  }
0x4e: {  	_ =	shalt  }
0x4f: {  	_ =	shalt  }
0x50: {  	_ =	shalt  }
0x51: {  	_ =	shalt  }
0x52: {  	_ =	shalt  }
0x53: {  	_ =	shalt  }
0x54: {  	_ =	shalt  }
0x55: {  	_ =	shalt  }
0x56: {  	_ =	shalt  }
0x57: {  	_ =	shalt  }
0x58: {  	_ =	shalt  }
0x59: {  	_ =	shalt  }
0x5a: {  	_ =	shalt  }
0x5b: {  	_ =	shalt  }
0x5c: {  	_ =	shalt  }
0x5d: {  	_ =	shalt  }
0x5e: {  	_ =	shalt  }
0x5f: {  	_ =	shalt  }
0x60: {  	_ =	shalt  }
0x61: {  	_ =	shalt  }
0x62: {  	_ =	shalt  }
0x63: {  	_ =	shalt  }
0x64: {  	_ =	shalt  }
0x65: {  	_ =	shalt  }
0x66: {  	_ =	shalt  }
0x67: {  	_ =	shalt  }
0x68: {  	_ =	shalt  }
0x69: {  	_ =	shalt  }
0x6a: {  	_ =	shalt  }
0x6b: {  	_ =	shalt  }
0x6c: {  	_ =	shalt  }
0x6d: {  	_ =	shalt  }
0x6e: {  	_ =	shalt  }
0x6f: {  	_ =	shalt  }
0x70: {  	_ =	shalt  }
0x71: {  	_ =	shalt  }
0x72: {  	_ =	shalt  }
0x73: {  	_ =	shalt  }
0x74: {  	_ =	shalt  }
0x75: {  	_ =	shalt  }
0x76: {  	_ =	shalt  }
0x77: {  	_ =	shalt  }
0x78: {  	_ =	shalt  }
0x79: {  	_ =	shalt  }
0x7a: {  	_ =	shalt  }
0x7b: {  	_ =	shalt  }
0x7c: {  	_ =	shalt  }
0x7d: {  	_ =	shalt  }
0x7e: {  	_ =	shalt  }
0x7f: {  	_ =	shalt  }
0x80: {  	_ =	shalt  }
0x81: {  	_ =	shalt  }
0x82: {  	_ =	shalt  }
0x83: {  	_ =	shalt  }
0x84: {  	_ =	shalt  }
0x85: {  	_ =	shalt  }
0x86: {  	_ =	shalt  }
0x87: {  	_ =	shalt  }
.Lfunc_end0:
.L_simem_size_0:
called_computation.2_lowered:
.L_overlay_start_0:
0x88: {  	s2 =	sld [smem:$0x3FD9]  }
0x89: {  	s3 =	sld [smem:$0x3FFE];
	_ =	sdelay $0x1  }
0x8a: {  	s1 =	srdreg.scid  }
0x8b: {  	s0 =	sand.u32 $0x1, s1  }
0x8c: {  	s17 =	sshll.u32 s0, $0xA;
	s2 =	sadd.s32 s3, s2  }
0x8d: {  	s2 =	sadd.s32 s2, s17  }
0x8e: {  	[smem:$0x3FB7] =	sst s2  }
0x8f: {  	_ = 	snop  }
0x90: {  	(tm) =	ssettm $0x1  }
0x91: {  	s18 =	sld [smem:$0x3FFB];
	_ =	sdelay $0x3  }
0x92: {  	_ =	strace s18  }
0x93: {  	s2 =	sld [smem:$0x3FFC];
	_ =	sdelay $0x3  }
0x94: {  	_ =	strace s2  }
0x95: {  	s2 =	sld [smem:$0x3FFD];
	_ =	sdelay $0x3  }
0x96: {  	_ =	strace s2  }
0x97: {  	_ =	strace $0x8FFFFFFF  }
0x98: {  	s19 =	sld [smem:$0x3FDB];
	_ =	sdelay $0x1  }
0x99: {  	s20 =	simm.s32 $_scs_section_size  }
0x9a: {  	s4 =	simm.s32 $_size__tile_overlayer_lowered;
	s5 =	simm.s32 $_tile_overlayer_lowered  }
0x9b: {  	s6 =	simm.s32 $0x1BFF;
	s21 =	sshll.u32 s5, $0x1;
	s3 =	sadd.s32 s20, s19  }
0x9c: {  	s22 =	simm.s32 $0x0;
	s4 =	sshll.u32 s4, $0x1;
	s5 =	sadd.s32 s21, s3  }
0x9d: {  	[timem:s22], [sflag:s6] =	dma.local [hbm:s5], s4  }
0x9e: {  	_ =	swait.ge [sflag:s6], s4  }
0x9f: {  	s4 =	ssub.s32 $0x0, s4;
	[sflag:s6] =	ssyncset.done $0x0  }
0xa0: {  	[sflag:s6] =	ssyncadd.s32 s4;
	_ =	sdelay $0x1  }
0xa1: {  	s23 =	simm.s32 $0x1B8B  }
0xa2: {  	_ =	swait.ge [sflag:s23], $0x1  }
0xa3: {  	[sflag:s23] =	ssyncset.done $0x0  }
0xa4: {  	[sflag:s23] =	ssyncadd.s32 $0xFFFFFFFF  }
0xa5: {  	s4 =	sld [smem:$0x0]  }
0xa6: {  	s5 =	sand.u32 $0xFFFFFFFE, s1  }
0xa7: {  	p0 =	sne.s32 s1, s5  }
0xa8: {  	s5 =	sshll.u32 @p0 s5, $0xE  }
0xa9: {  	s5 =	sadd.s32 @p0 $0x11B8D, s5;
	s6 =	sshll.u32 @p0 s4, $0x11  }
0xaa: {  	s5 =	sor.u32 @p0 s6, s5  }
0xab: {  	[sflag:s5] =	ssyncadd.remote.s32 @p0 $0x1;
	_ =	sdelay $0x1  }
0xac: {  	s5 =	simm.s32 @p0 $0x1B8D  }
0xad: {  	_ =	swait.eq @p0 [sflag:s5], $0x1  }
0xae: {  	[sflag:s5] =	ssyncadd.s32 @p0 $0xFFFFFFFF  }
0xaf: {  	s6 =	sshll.u32 @!p0 s1, $0xE  }
0xb0: {  	s6 =	sor.u32 @!p0 $0x4000, s6;
	s5 =	simm.s32 @!p0 $0x1B8D  }
0xb1: {  	s4 =	sshll.u32 @!p0 s4, $0x11;
	s6 =	sadd.s32 @!p0 $0x11B8D, s6;
	_ =	swait.eq @!p0 [sflag:s5], $0x1  }
0xb2: {  	s4 =	sor.u32 @!p0 s4, s6;
	[sflag:s5] =	ssyncadd.s32 @!p0 $0xFFFFFFFF  }
0xb3: {  	s25 =	simm.s32 $0x1B8E;
	s24 =	sld [smem:$0x3FFE];
	[sflag:s4] =	ssyncadd.remote.s32 @!p0 $0x1  }
0xb4: {  	s26 =	simm.s32 $execute0_lowered;
	[smem:$0x3FD2] =	sst s25  }
0xb5: {  	s5 =	sshll.u32 s26, $0x1;
	_ =	strace $0x8000004F;
	[dreg:$0x1] =	wrdreg $0xFFFFFFFF  }
0xb6: {  	s28 =	simm.s32 $_size_execute0_lowered;
	s3 =	sadd.s32 s3, s5;
	[dreg:$0x0] =	wrdreg $0x0  }
0xb7: {  	s5 =	sshll.u32 s28, $0x1;
	[dreg:$0x2] =	wrdreg s3  }
0xb8: {  	[dreg:$0x3] =	wrdreg s5  }
0xb9: {  	[dreg:$0x4] =	wrdreg $0xC0  }
0xba: {  	_ =	task [dreg:s22], $0x5FFFF  }
0xbb: {  	[dreg:$0x1] =	wrdreg $0xFFFFFFFF  }
0xbc: {  	[dreg:$0x0] =	wrdreg $0x60  }
0xbd: {  	[dreg:$0x2] =	wrdreg s24  }
0xbe: {  	[dreg:$0x3] =	wrdreg $0xAA000  }
0xbf: {  	[dreg:$0x4] =	wrdreg $0x9  }
0xc0: {  	_ =	task.clear_ibuf [dreg:s22], $0x5FFFF;
	_ =	strace $0x9000004F  }
0xc1: {  	s29 =	simm.s32 $0x9;
	_ =	strace $0x80000051  }
0xc2: {  	_ =	swait.ge [sflag:s29], $0x1  }
0xc3: {  	[sflag:s29] =	ssyncadd.s32 $0xFFFFFFFF  }
0xc4: {  	_ =	strace $0x90000051  }
0xc5: {  	_ =	sfence  }
0xc6: {  	s30 =	sld [smem:$0x0];
	_ =	sdelay $0x2  }
0xc7: {  	s31 =	sshll.u32 s1, $0xD;
	s1 =	sshrl.u32 s1, $0x2  }
0xc8: {  	s4 =	sand.u32 $0x4000, s31;
	s1 =	sadd.s32 s1, s30  }
0xc9: {  	s0 =	sor.u32 s4, s0;
	s1 =	sshll.u32 s1, $0x11  }
0xca: {  	s0 =	sor.u32 s1, s0  }
0xcb: {  	s0 =	sadd.s32 $0x8F2B, s0  }
0xcc: {  	[sflag:s0] =	ssyncadd.remote.s32 $0x1  }
0xcd: {  	_ =	sfence.sel $0xFFFF  }
0xce: {  	[dreg:$0x0] =	wrdreg $0xFFFFFFFF;
	(pc) =	sbr.abs _section_cstart, $3  }
0xcf: {  	[dreg:$0x1] =	wrdreg $0xFFFFFFFF  }
0xd0: {  	_ =	task.clear_ibuf [dreg:s22], $0x2FFFF;
	_ =	strace $0x9FFFFFFF  }
0xd1: {  	(tm) =	ssettm $0x7FFFFFFF  }
tec
execute0_lowered:
.L_overlay_start_1:
0x0: {  	(tag) =	ssettag $0x1  }
0x1: {  	s4 =	rddreg [dreg:$0x0]  }
0x2: {  	s2 =	rddreg [dreg:$0x1]  }
0x3: {  	s3 =	srdreg.scid;
	s1 =	stileid.u32  }
0x4: {  	s0 =	rddreg [dreg:$0x2];
	s10 =	simm.s32 $0x1;
	s11 =	simm.s32 $0x5000  }
0x5: {  	s14 =	simm.s32 $0x20;
	s15 =	simm.s32 $0x10;
	s16 =	simm.s32 $0x0  }
0x6: {  	s5 =	sand.u32 $0x1, s3;
	s6 =	sshll.u32 s1, $0x1;
	s7 =	smul.u32 $0x1400, s1  }
0x7: {  	s3 =	simm.s32 $0x0;
	s30 =	smul.u32 $0x2800, s1;
	s12 =	sshll.u32 s1, $0x6  }
0x8: {  	s6 =	sor.u32 s5, s6;
	[smem:$0x7FF] =	sst s3;
	s8 =	sshll.u32 s5, $0x7  }
0x9: {  	s5 =	ssub.s32 $0x2, s5;
	s12 =	sor.u32 $0x1C01, s12;
	s6 =	smul.u32 $0xA00, s6  }
0xa: {  	_ =	strace $0x80000050;
	s7 =	sor.u32 s8, s7;
	s31 =	sshrl.u32 s5, $0x1  }
0xb: {  	s8 =	sshrl.u32 s30, $0x2;
	s7 =	sshrl.u32 s7, $0x3;
	s9 =	ssub.s32 s5, s31  }
0xc: {  	s6 =	sadd.s32 s6, s4;
	s7 =	sadd.s32 s7, s4;
	s4 =	sadd.s32 s8, s2  }
0xd: {  	s8 =	smax.u32 s9, $0x1;
	s9 =	simm.s32 $0xA000;
	s5 =	sadd.s32 $0x2CA00, s6  }
0xe: {  	v0 =	vimm.f32 $0.0e+00;
	s6 =	sadd.s32 $0x40A00, s6;
	s7 =	sadd.s32 $0x57200, s7;
	s13 =	sshrl.u32 s4, $0x3  }
.LBB2_1:
0xf: {  	s17 =	simm.s32 $0x40;
	s18 =	simm.s32 $0x0  }
.LBB2_2:
0x10: {  	p0 =	sne.s32 s17, $0x27C0;
	[tilespmem:s18+$0xA000] =	vst v0;
	s18 =	smov.u32 s17;
	s17 =	sadd.s32 $0x40, s17  }
.Ltmp0:
0x11: {  	(pc) =	sbr.rel @p0 .LBB2_2-.Ltmp0, $2  }
0x12: {  	_ =	sdelay $0x2  }
0x13: {  	s18 =	sshra.s32 s18, $0x2  }
0x14: {  	[tilespmem:s18+$0xA000] =	vst v0  }
0x15: {  	[spmem:s4] =	stream.linear.scatter [tilespmem:s9], [sflag:$0x1], $0xA00, $0x38;
	[tilespmem:$0xB400] =	vst v63  }
0x16: {  	_ =	swait.ge [sflag:s10], $0xA00  }
0x17: {  	[sflag:s10] =	ssyncset.done $0x0  }
0x18: {  	[sflag:s10] =	ssyncadd.s32 $0xFFFFF600  }
0x19: {  	[tilespmem:s3], [sflag:$0x1] =	stream.linear.gather [hbm4b:s5+s3], $0x5000, $0x38;
	[tilespmem:$0xB400] =	vst v63  }
0x1a: {  	_ =	swait.ge [sflag:s10], $0x5000  }
0x1b: {  	[sflag:s10] =	ssyncset.done $0x0  }
0x1c: {  	[sflag:s10] =	ssyncadd.s32 $0xFFFFB000  }
0x1d: {  	[tilespmem:s11], [sflag:$0x1] =	stream.linear.gather [hbm4b:s6+s3], $0x5000, $0x38;
	[tilespmem:$0xB400] =	vst v63  }
0x1e: {  	_ =	swait.ge [sflag:s10], $0x5000  }
0x1f: {  	[sflag:s10] =	ssyncset.done $0x0  }
0x20: {  	[sflag:s10] =	ssyncadd.s32 $0xFFFFB000  }
0x21: {  	[bflag:$0x0] =	sbarrier.arrive $0xFFFF  }
0x22: {  	[spmem:s2] =	stream.indirect.scatter.add.f32 [tilespmem:s11], [sflag:$0x1], $0x1, s3, s11, $0xb8;
	[tilespmem:$0xB400] =	vst v63  }
0x23: {  	_ =	swait.ge [sflag:s10], $0x5000  }
0x24: {  	s16 =	sadd.s32 $0x1, s16;
	[sflag:s10] =	ssyncset.done $0x0  }
0x25: {  	p0 =	sne.s32 s16, s8;
	[sflag:s10] =	ssyncadd.s32 $0xFFFFB000  }
.Ltmp1:
0x26: {  	[bflag:$0x0] =	sbarrier.arrive $0xFFFF;
	(pc) =	sbr.rel @p0 .LBB2_1-.Ltmp1, $4  }
0x27: {  	[hbm:s7@s14], [sflag:s12] =	dma.strided [spmem:s13@s15], $0x140, s10, $0x10   }
0x28: {  	_ =	swait.ge [sflag:s10], $0x140  }
0x29: {  	[sflag:s10] =	ssyncset.done $0x0  }
0x2a: {  	[sflag:s10] =	ssyncadd.s32 $0xFFFFFEC0  }
0x2b: {  	_ =	sfence.sel $0x180000  }
0x2c: {  	[bflag:$0x0] =	sbarrier.arrive $0xFFFF  }
0x2d: {  	p0 =	sne.s32 s1, $0x0;
	_ =	strace $0x90000050  }
0x2e: {  	s0 =	sadd.s32 @!p0 $0x100000, s0;
	[bflag:$0x2] =	sbarrier.arrive $0xFFFF  }
0x2f: {  	[sflag:s0] =	ssyncadd.tile.s32 @!p0 $0x1;
	_ =	shalt  }
.Lfunc_end2:
_tile_overlayer_lowered:
.L_overlay_start_2:
0x30: {  	(tag) =	ssettag $0x2  }
0x31: {  	s0 =	rddreg [dreg:$0x0];
	s2 =	stileid.u32  }
0x32: {  	s1 =	rddreg [dreg:$0x1];
	p0 =	sne.s32 s2, $0x0  }
0x33: {  	s3 =	rddreg [dreg:$0x2];
	[bflag:$0x3] =	sbarrier.arrive $0xFFFF;
	s2 =	simm.s32 @!p0 $0x1C01  }
0x34: {  	[timem:s3], [sflag:s2] =	dma.local @!p0 [hbm:s0], s1  }
0x35: {  	s0 =	simm.s32 @!p0 $0x1  }
0x36: {  	_ =	swait.ge @!p0 [sflag:s0], s1  }
0x37: {  	s1 =	ssub.s32 @!p0 $0x0, s1;
	[sflag:s0] =	ssyncset.done @!p0 $0x0  }
0x38: {  	[sflag:s0] =	ssyncadd.s32 @!p0 s1  }
0x39: {  	[bflag:$0x3] =	sbarrier.arrive $0xFFFF  }
0x3a: {  	_ =	shalt  }

// kernel: kernel.17.cloned.1.call-start
scs
__scs_entry_jumppad:
0x0: {  	(pc) =	sbr.rel $0x88, $3  }
0x1: {  	(tag) =	ssettag $0x0;
	lr =	simm.s32 $0x1  }
0x2: {  	[smem:$0x3F90] =	sst lr;
	_ =	strace $0xD0000000  }
0x3: {  	_ = 	snop  }
0x4: {  	_ = 	snop  }
0x5: {  	_ = 	snop  }
0x6: {  	_ = 	snop  }
0x7: {  	_ = 	snop  }
__scs_overlays_trampoline_lowered:
0x8: {  	[smem:$0x3F9F] =	sst s0  }
0x9: {  	[smem:$0x3FA0] =	sst s1  }
0xa: {  	[smem:$0x3FA1] =	sst s2  }
0xb: {  	[smem:$0x3FA2] =	sst s3  }
0xc: {  	[smem:$0x3FA3] =	sst s4  }
0xd: {  	[smem:$0x3FA4] =	sst s5  }
0xe: {  	[smem:$0x3FA5] =	sst s6  }
0xf: {  	[smem:$0x3FA6] =	sst s7  }
0x10: {  	[smem:$0x3FA7] =	sst s8  }
0x11: {  	[smem:$0x3FA8] =	sst s9;
	s0 =	simm.s32 @!p0 $0x0  }
0x12: {  	s1 =	sld [smem:$0x3F8E];
	s0 =	simm.s32 @p0 $0x1  }
0x13: {  	[smem:$0x3FA9] =	sst s0;
	s0 =	simm.s32 @!p1 $0x0  }
0x14: {  	s2 =	sld [smem:$0x3F8D];
	s0 =	simm.s32 @p1 $0x1  }
0x15: {  	[smem:$0x3FAA] =	sst s0;
	s0 =	simm.s32 @!p2 $0x0  }
0x16: {  	s3 =	sld [smem:$0x3FDB];
	s0 =	simm.s32 @p2 $0x1  }
0x17: {  	s4 =	simm.s32 $0x1BF5;
	[smem:$0x3FAC] =	sst s0  }
0x18: {  	s0 =	sld [smem:$0x3F8F];
	_ =	swait.ge [sflag:s4], $0x0  }
0x19: {  	s7 =	sld [smem:$0x3F90]  }
0x1a: {  	s8 =	sadd.s32 $0xFFFFE003, lr  }
0x1b: {  	s9 =	sadd.s32 $0xFFFFFEF7, lr;
	s5 =	simm.s32 $0xFFFFFFFF;
	p2 =	slt.u32 s8, $0xFFFFF086  }
0x1c: {  	p1 =	slt.u32 s9, $0xF7A;
	s5 =	simm.s32 @!p2 $0x0  }
0x1d: {  	s5 =	simm.s32 @p1 $0x1;
	p0 =	seq.s32 s7, s2  }
0x1e: {  	s7 =	smul.u32 @!p0 $0xF7A, s2;
	p2 =	seq.s32 @!p0 s5, $0x0  }
0x1f: {  	s9 =	smul.u32 $0xF7A, s1;
	s8 =	simm.s32 @!p0 $0x1BF5;
	p2 =	por !p2, p0  }
0x20: {  	[sflag:s8] =	ssyncset.s32 @!p0 $0xFFFFF086;
	s6 =	sadd.s32 @!p0 s3, s7;
	s7 =	simm.s32 @!p0 $0x108  }
0x21: {  	s3 =	sadd.s32 s3, s9;
	s6 =	sadd.s32 @!p0 $0x88, s6;
	s7 =	simm.s32 @p2 $0x1082  }
0x22: {  	[simem:s7], [sflag:s8] =	dma.local @!p0 [hbm:s6], $0xF7A  }
0x23: {  	s9 =	sor.u32 $0xD0000000, s2;
	s6 =	simm.s32 $0x108;
	_ =	swait.ge @!p0 [sflag:s8], $0x0  }
0x24: {  	s3 =	sadd.s32 $0x88, s3;
	s6 =	simm.s32 @!p1 $0x1082;
	[sflag:s4] =	ssyncset.s32 $0xFFFFF086  }
0x25: {  	[simem:s6], [sflag:s4] =	dma.local [hbm:s3], $0xF7A  }
0x26: {  	[smem:$0x3F90] =	sst s1;
	(tag) =	ssettag s2;
	_ =	strace s9  }
0x27: {  	s1 =	sld [smem:$0x3FA0]  }
0x28: {  	s2 =	sld [smem:$0x3FA1]  }
0x29: {  	s4 =	sld [smem:$0x3FA3]  }
0x2a: {  	p0 =	seq.s32 s5, $0x0;
	s5 =	sld [smem:$0x3FA4]  }
0x2b: {  	s6 =	sld [smem:$0x3FA5]  }
0x2c: {  	s7 =	sld [smem:$0x3FA6]  }
0x2d: {  	s3 =	simm.s32 $0x108;
	s8 =	sld [smem:$0x3FA7]  }
0x2e: {  	s3 =	simm.s32 @!p0 $0x1082;
	s9 =	sld [smem:$0x3FA8]  }
0x2f: {  	lr =	sadd.s32 s0, s3;
	s0 =	sld [smem:$0x3F9F]  }
0x30: {  	s3 =	sld [smem:$0x3FA2]  }
0x31: {  	[smem:$0x3FAB] =	sst s10  }
0x32: {  	s10 =	sld [smem:$0x3FA9];
	_ =	sdelay $0x3  }
0x33: {  	p0 =	seq.s32 s10, $0x1;
	s10 =	sld [smem:$0x3FAB];
	_ =	sdelay $0x3  }
0x34: {  	[smem:$0x3FAB] =	sst s10  }
0x35: {  	s10 =	sld [smem:$0x3FAA];
	_ =	sdelay $0x3  }
0x36: {  	p1 =	seq.s32 s10, $0x1;
	s10 =	sld [smem:$0x3FAB];
	_ =	sdelay $0x3  }
0x37: {  	[smem:$0x3FAB] =	sst s10  }
0x38: {  	s10 =	sld [smem:$0x3FAC]  }
0x39: {  	_ = 	snop;
	(pc) =	sbr.ind lr, $3  }
0x3a: {  	_ = 	snop  }
0x3b: {  	_ = 	snop  }
0x3c: {  	p2 =	seq.s32 s10, $0x1;
	s10 =	sld [smem:$0x3FAB]  }
0x3d: {  	_ =	shalt  }
0x3e: {  	_ =	shalt  }
0x3f: {  	_ =	shalt  }
0x40: {  	_ =	shalt  }
0x41: {  	_ =	shalt  }
0x42: {  	_ =	shalt  }
0x43: {  	_ =	shalt  }
0x44: {  	_ =	shalt  }
0x45: {  	_ =	shalt  }
0x46: {  	_ =	shalt  }
0x47: {  	_ =	shalt  }
0x48: {  	_ =	shalt  }
0x49: {  	_ =	shalt  }
0x4a: {  	_ =	shalt  }
0x4b: {  	_ =	shalt  }
0x4c: {  	_ =	shalt  }
0x4d: {  	_ =	shalt  }
0x4e: {  	_ =	shalt  }
0x4f: {  	_ =	shalt  }
0x50: {  	_ =	shalt  }
0x51: {  	_ =	shalt  }
0x52: {  	_ =	shalt  }
0x53: {  	_ =	shalt  }
0x54: {  	_ =	shalt  }
0x55: {  	_ =	shalt  }
0x56: {  	_ =	shalt  }
0x57: {  	_ =	shalt  }
0x58: {  	_ =	shalt  }
0x59: {  	_ =	shalt  }
0x5a: {  	_ =	shalt  }
0x5b: {  	_ =	shalt  }
0x5c: {  	_ =	shalt  }
0x5d: {  	_ =	shalt  }
0x5e: {  	_ =	shalt  }
0x5f: {  	_ =	shalt  }
0x60: {  	_ =	shalt  }
0x61: {  	_ =	shalt  }
0x62: {  	_ =	shalt  }
0x63: {  	_ =	shalt  }
0x64: {  	_ =	shalt  }
0x65: {  	_ =	shalt  }
0x66: {  	_ =	shalt  }
0x67: {  	_ =	shalt  }
0x68: {  	_ =	shalt  }
0x69: {  	_ =	shalt  }
0x6a: {  	_ =	shalt  }
0x6b: {  	_ =	shalt  }
0x6c: {  	_ =	shalt  }
0x6d: {  	_ =	shalt  }
0x6e: {  	_ =	shalt  }
0x6f: {  	_ =	shalt  }
0x70: {  	_ =	shalt  }
0x71: {  	_ =	shalt  }
0x72: {  	_ =	shalt  }
0x73: {  	_ =	shalt  }
0x74: {  	_ =	shalt  }
0x75: {  	_ =	shalt  }
0x76: {  	_ =	shalt  }
0x77: {  	_ =	shalt  }
0x78: {  	_ =	shalt  }
0x79: {  	_ =	shalt  }
0x7a: {  	_ =	shalt  }
0x7b: {  	_ =	shalt  }
0x7c: {  	_ =	shalt  }
0x7d: {  	_ =	shalt  }
0x7e: {  	_ =	shalt  }
0x7f: {  	_ =	shalt  }
0x80: {  	_ =	shalt  }
0x81: {  	_ =	shalt  }
0x82: {  	_ =	shalt  }
0x83: {  	_ =	shalt  }
0x84: {  	_ =	shalt  }
0x85: {  	_ =	shalt  }
0x86: {  	_ =	shalt  }
0x87: {  	_ =	shalt  }
.Lfunc_end0:
.L_simem_size_0:
called_computation.3_lowered:
.L_overlay_start_0:
0x88: {  	s2 =	sld [smem:$0x3FD9]  }
0x89: {  	s3 =	sld [smem:$0x3FFE];
	_ =	sdelay $0x1  }
0x8a: {  	s1 =	srdreg.scid  }
0x8b: {  	s0 =	sand.u32 $0x1, s1  }
0x8c: {  	s17 =	sshll.u32 s0, $0xA;
	s2 =	sadd.s32 s3, s2  }
0x8d: {  	s2 =	sadd.s32 s2, s17  }
0x8e: {  	[smem:$0x3FB7] =	sst s2  }
0x8f: {  	_ = 	snop  }
0x90: {  	(tm) =	ssettm $0x1  }
0x91: {  	s18 =	sld [smem:$0x3FFB];
	_ =	sdelay $0x3  }
0x92: {  	_ =	strace s18  }
0x93: {  	s2 =	sld [smem:$0x3FFC];
	_ =	sdelay $0x3  }
0x94: {  	_ =	strace s2  }
0x95: {  	s2 =	sld [smem:$0x3FFD];
	_ =	sdelay $0x3  }
0x96: {  	_ =	strace s2  }
0x97: {  	_ =	strace $0x8FFFFFFF  }
0x98: {  	s19 =	sld [smem:$0x3FDB];
	_ =	sdelay $0x1  }
0x99: {  	s20 =	simm.s32 $_scs_section_size  }
0x9a: {  	s4 =	simm.s32 $_size__tile_overlayer_lowered;
	s5 =	simm.s32 $_tile_overlayer_lowered  }
0x9b: {  	s6 =	simm.s32 $0x1BFF;
	s21 =	sshll.u32 s5, $0x1;
	s3 =	sadd.s32 s20, s19  }
0x9c: {  	s22 =	simm.s32 $0x0;
	s4 =	sshll.u32 s4, $0x1;
	s5 =	sadd.s32 s21, s3  }
0x9d: {  	[timem:s22], [sflag:s6] =	dma.local [hbm:s5], s4  }
0x9e: {  	_ =	swait.ge [sflag:s6], s4  }
0x9f: {  	s4 =	ssub.s32 $0x0, s4;
	[sflag:s6] =	ssyncset.done $0x0  }
0xa0: {  	[sflag:s6] =	ssyncadd.s32 s4;
	_ =	sdelay $0x1  }
0xa1: {  	s23 =	simm.s32 $0x1B8B  }
0xa2: {  	_ =	swait.ge [sflag:s23], $0x1  }
0xa3: {  	[sflag:s23] =	ssyncset.done $0x0  }
0xa4: {  	[sflag:s23] =	ssyncadd.s32 $0xFFFFFFFF  }
0xa5: {  	s4 =	sld [smem:$0x0]  }
0xa6: {  	s5 =	sand.u32 $0xFFFFFFFE, s1  }
0xa7: {  	p0 =	sne.s32 s1, s5  }
0xa8: {  	s5 =	sshll.u32 @p0 s5, $0xE  }
0xa9: {  	s5 =	sadd.s32 @p0 $0x11B8D, s5;
	s6 =	sshll.u32 @p0 s4, $0x11  }
0xaa: {  	s5 =	sor.u32 @p0 s6, s5  }
0xab: {  	[sflag:s5] =	ssyncadd.remote.s32 @p0 $0x1;
	_ =	sdelay $0x1  }
0xac: {  	s5 =	simm.s32 @p0 $0x1B8D  }
0xad: {  	_ =	swait.eq @p0 [sflag:s5], $0x1  }
0xae: {  	[sflag:s5] =	ssyncadd.s32 @p0 $0xFFFFFFFF  }
0xaf: {  	s6 =	sshll.u32 @!p0 s1, $0xE  }
0xb0: {  	s6 =	sor.u32 @!p0 $0x4000, s6;
	s5 =	simm.s32 @!p0 $0x1B8D  }
0xb1: {  	s4 =	sshll.u32 @!p0 s4, $0x11;
	s6 =	sadd.s32 @!p0 $0x11B8D, s6;
	_ =	swait.eq @!p0 [sflag:s5], $0x1  }
0xb2: {  	s4 =	sor.u32 @!p0 s4, s6;
	[sflag:s5] =	ssyncadd.s32 @!p0 $0xFFFFFFFF  }
0xb3: {  	s25 =	simm.s32 $0x1B8E;
	s24 =	sld [smem:$0x3FFE];
	[sflag:s4] =	ssyncadd.remote.s32 @!p0 $0x1  }
0xb4: {  	s26 =	simm.s32 $execute0_lowered;
	[smem:$0x3FD2] =	sst s25  }
0xb5: {  	s5 =	sshll.u32 s26, $0x1;
	_ =	strace $0x8000004C;
	[dreg:$0x1] =	wrdreg $0xFFFFFFFF  }
0xb6: {  	s28 =	simm.s32 $_size_execute0_lowered;
	s3 =	sadd.s32 s3, s5;
	[dreg:$0x0] =	wrdreg $0x0  }
0xb7: {  	s5 =	sshll.u32 s28, $0x1;
	[dreg:$0x2] =	wrdreg s3  }
0xb8: {  	[dreg:$0x3] =	wrdreg s5  }
0xb9: {  	[dreg:$0x4] =	wrdreg $0xC0  }
0xba: {  	_ =	task [dreg:s22], $0x5FFFF  }
0xbb: {  	[dreg:$0x1] =	wrdreg $0xFFFFFFFF  }
0xbc: {  	[dreg:$0x0] =	wrdreg $0x60  }
0xbd: {  	[dreg:$0x2] =	wrdreg s24  }
0xbe: {  	[dreg:$0x3] =	wrdreg $0xAA000  }
0xbf: {  	[dreg:$0x4] =	wrdreg $0xA  }
0xc0: {  	_ =	task.clear_ibuf [dreg:s22], $0x5FFFF;
	_ =	strace $0x9000004C  }
0xc1: {  	s29 =	simm.s32 $0xA;
	_ =	strace $0x8000004E  }
0xc2: {  	_ =	swait.ge [sflag:s29], $0x1  }
0xc3: {  	[sflag:s29] =	ssyncadd.s32 $0xFFFFFFFF  }
0xc4: {  	_ =	strace $0x9000004E  }
0xc5: {  	_ =	sfence  }
0xc6: {  	s30 =	sld [smem:$0x0];
	_ =	sdelay $0x2  }
0xc7: {  	s31 =	sshll.u32 s1, $0xD;
	s1 =	sshrl.u32 s1, $0x2  }
0xc8: {  	s4 =	sand.u32 $0x4000, s31;
	s1 =	sadd.s32 s1, s30  }
0xc9: {  	s0 =	sor.u32 s4, s0;
	s1 =	sshll.u32 s1, $0x11  }
0xca: {  	s0 =	sor.u32 s1, s0  }
0xcb: {  	s0 =	sadd.s32 $0x8F2B, s0  }
0xcc: {  	[sflag:s0] =	ssyncadd.remote.s32 $0x1  }
0xcd: {  	_ =	sfence.sel $0xFFFF  }
0xce: {  	[dreg:$0x0] =	wrdreg $0xFFFFFFFF;
	(pc) =	sbr.abs _section_cstart, $3  }
0xcf: {  	[dreg:$0x1] =	wrdreg $0xFFFFFFFF  }
0xd0: {  	_ =	task.clear_ibuf [dreg:s22], $0x2FFFF;
	_ =	strace $0x9FFFFFFF  }
0xd1: {  	(tm) =	ssettm $0x7FFFFFFF  }
tec
execute0_lowered:
.L_overlay_start_1:
0x0: {  	(tag) =	ssettag $0x1  }
0x1: {  	s4 =	rddreg [dreg:$0x0]  }
0x2: {  	s2 =	rddreg [dreg:$0x1]  }
0x3: {  	s3 =	srdreg.scid;
	s1 =	stileid.u32  }
0x4: {  	s0 =	rddreg [dreg:$0x2];
	s10 =	simm.s32 $0x1;
	s11 =	simm.s32 $0x5000  }
0x5: {  	s14 =	simm.s32 $0x20;
	s15 =	simm.s32 $0x10;
	s16 =	simm.s32 $0x0  }
0x6: {  	s5 =	sand.u32 $0x1, s3;
	s6 =	sshll.u32 s1, $0x1;
	s7 =	smul.u32 $0x1400, s1  }
0x7: {  	s3 =	simm.s32 $0x0;
	s30 =	smul.u32 $0x2800, s1;
	s12 =	sshll.u32 s1, $0x6  }
0x8: {  	s6 =	sor.u32 s5, s6;
	[smem:$0x7FF] =	sst s3;
	s8 =	sshll.u32 s5, $0x7  }
0x9: {  	s5 =	ssub.s32 $0x2, s5;
	s12 =	sor.u32 $0x1C01, s12;
	s6 =	smul.u32 $0xA00, s6  }
0xa: {  	_ =	strace $0x8000004D;
	s7 =	sor.u32 s8, s7;
	s31 =	sshrl.u32 s5, $0x1  }
0xb: {  	s8 =	sshrl.u32 s30, $0x2;
	s7 =	sshrl.u32 s7, $0x3;
	s9 =	ssub.s32 s5, s31  }
0xc: {  	s6 =	sadd.s32 s6, s4;
	s7 =	sadd.s32 s7, s4;
	s4 =	sadd.s32 s8, s2  }
0xd: {  	s8 =	smax.u32 s9, $0x1;
	s9 =	simm.s32 $0xA000;
	s5 =	sadd.s32 $0x3600, s6  }
0xe: {  	v0 =	vimm.f32 $0.0e+00;
	s6 =	sadd.s32 $0x18A00, s6;
	s7 =	sadd.s32 $0x54A00, s7;
	s13 =	sshrl.u32 s4, $0x3  }
.LBB2_1:
0xf: {  	s17 =	simm.s32 $0x40;
	s18 =	simm.s32 $0x0  }
.LBB2_2:
0x10: {  	p0 =	sne.s32 s17, $0x27C0;
	[tilespmem:s18+$0xA000] =	vst v0;
	s18 =	smov.u32 s17;
	s17 =	sadd.s32 $0x40, s17  }
.Ltmp0:
0x11: {  	(pc) =	sbr.rel @p0 .LBB2_2-.Ltmp0, $2  }
0x12: {  	_ =	sdelay $0x2  }
0x13: {  	s18 =	sshra.s32 s18, $0x2  }
0x14: {  	[tilespmem:s18+$0xA000] =	vst v0  }
0x15: {  	[spmem:s4] =	stream.linear.scatter [tilespmem:s9], [sflag:$0x1], $0xA00, $0x38;
	[tilespmem:$0xB400] =	vst v63  }
0x16: {  	_ =	swait.ge [sflag:s10], $0xA00  }
0x17: {  	[sflag:s10] =	ssyncset.done $0x0  }
0x18: {  	[sflag:s10] =	ssyncadd.s32 $0xFFFFF600  }
0x19: {  	[tilespmem:s3], [sflag:$0x1] =	stream.linear.gather [hbm4b:s5+s3], $0x5000, $0x38;
	[tilespmem:$0xB400] =	vst v63  }
0x1a: {  	_ =	swait.ge [sflag:s10], $0x5000  }
0x1b: {  	[sflag:s10] =	ssyncset.done $0x0  }
0x1c: {  	[sflag:s10] =	ssyncadd.s32 $0xFFFFB000  }
0x1d: {  	[tilespmem:s11], [sflag:$0x1] =	stream.linear.gather [hbm4b:s6+s3], $0x5000, $0x38;
	[tilespmem:$0xB400] =	vst v63  }
0x1e: {  	_ =	swait.ge [sflag:s10], $0x5000  }
0x1f: {  	[sflag:s10] =	ssyncset.done $0x0  }
0x20: {  	[sflag:s10] =	ssyncadd.s32 $0xFFFFB000  }
0x21: {  	[bflag:$0x0] =	sbarrier.arrive $0xFFFF  }
0x22: {  	[spmem:s2] =	stream.indirect.scatter.add.f32 [tilespmem:s11], [sflag:$0x1], $0x1, s3, s11, $0xb8;
	[tilespmem:$0xB400] =	vst v63  }
0x23: {  	_ =	swait.ge [sflag:s10], $0x5000  }
0x24: {  	s16 =	sadd.s32 $0x1, s16;
	[sflag:s10] =	ssyncset.done $0x0  }
0x25: {  	p0 =	sne.s32 s16, s8;
	[sflag:s10] =	ssyncadd.s32 $0xFFFFB000  }
.Ltmp1:
0x26: {  	[bflag:$0x0] =	sbarrier.arrive $0xFFFF;
	(pc) =	sbr.rel @p0 .LBB2_1-.Ltmp1, $4  }
0x27: {  	[hbm:s7@s14], [sflag:s12] =	dma.strided [spmem:s13@s15], $0x140, s10, $0x10   }
0x28: {  	_ =	swait.ge [sflag:s10], $0x140  }
0x29: {  	[sflag:s10] =	ssyncset.done $0x0  }
0x2a: {  	[sflag:s10] =	ssyncadd.s32 $0xFFFFFEC0  }
0x2b: {  	_ =	sfence.sel $0x180000  }
0x2c: {  	[bflag:$0x0] =	sbarrier.arrive $0xFFFF  }
0x2d: {  	p0 =	sne.s32 s1, $0x0;
	_ =	strace $0x9000004D  }
0x2e: {  	s0 =	sadd.s32 @!p0 $0x100000, s0;
	[bflag:$0x2] =	sbarrier.arrive $0xFFFF  }
0x2f: {  	[sflag:s0] =	ssyncadd.tile.s32 @!p0 $0x1;
	_ =	shalt  }
.Lfunc_end2:
_tile_overlayer_lowered:
.L_overlay_start_2:
0x30: {  	(tag) =	ssettag $0x2  }
0x31: {  	s0 =	rddreg [dreg:$0x0];
	s2 =	stileid.u32  }
0x32: {  	s1 =	rddreg [dreg:$0x1];
	p0 =	sne.s32 s2, $0x0  }
0x33: {  	s3 =	rddreg [dreg:$0x2];
	[bflag:$0x3] =	sbarrier.arrive $0xFFFF;
	s2 =	simm.s32 @!p0 $0x1C01  }
0x34: {  	[timem:s3], [sflag:s2] =	dma.local @!p0 [hbm:s0], s1  }
0x35: {  	s0 =	simm.s32 @!p0 $0x1  }
0x36: {  	_ =	swait.ge @!p0 [sflag:s0], s1  }
0x37: {  	s1 =	ssub.s32 @!p0 $0x0, s1;
	[sflag:s0] =	ssyncset.done @!p0 $0x0  }
0x38: {  	[sflag:s0] =	ssyncadd.s32 @!p0 s1  }
0x39: {  	[bflag:$0x3] =	sbarrier.arrive $0xFFFF  }
0x3a: {  	_ =	shalt  }

// kernel: kernel.8.cloned.1.call-start
scs
__scs_entry_jumppad:
0x0: {  	(pc) =	sbr.rel $0x88, $3  }
0x1: {  	(tag) =	ssettag $0x0;
	lr =	simm.s32 $0x1  }
0x2: {  	[smem:$0x3F90] =	sst lr;
	_ =	strace $0xD0000000  }
0x3: {  	_ = 	snop  }
0x4: {  	_ = 	snop  }
0x5: {  	_ = 	snop  }
0x6: {  	_ = 	snop  }
0x7: {  	_ = 	snop  }
__scs_overlays_trampoline_lowered:
0x8: {  	[smem:$0x3F9F] =	sst s0  }
0x9: {  	[smem:$0x3FA0] =	sst s1  }
0xa: {  	[smem:$0x3FA1] =	sst s2  }
0xb: {  	[smem:$0x3FA2] =	sst s3  }
0xc: {  	[smem:$0x3FA3] =	sst s4  }
0xd: {  	[smem:$0x3FA4] =	sst s5  }
0xe: {  	[smem:$0x3FA5] =	sst s6  }
0xf: {  	[smem:$0x3FA6] =	sst s7  }
0x10: {  	[smem:$0x3FA7] =	sst s8  }
0x11: {  	[smem:$0x3FA8] =	sst s9;
	s0 =	simm.s32 @!p0 $0x0  }
0x12: {  	s1 =	sld [smem:$0x3F8E];
	s0 =	simm.s32 @p0 $0x1  }
0x13: {  	[smem:$0x3FA9] =	sst s0;
	s0 =	simm.s32 @!p1 $0x0  }
0x14: {  	s2 =	sld [smem:$0x3F8D];
	s0 =	simm.s32 @p1 $0x1  }
0x15: {  	[smem:$0x3FAA] =	sst s0;
	s0 =	simm.s32 @!p2 $0x0  }
0x16: {  	s3 =	sld [smem:$0x3FDB];
	s0 =	simm.s32 @p2 $0x1  }
0x17: {  	s4 =	simm.s32 $0x1BF5;
	[smem:$0x3FAC] =	sst s0  }
0x18: {  	s0 =	sld [smem:$0x3F8F];
	_ =	swait.ge [sflag:s4], $0x0  }
0x19: {  	s7 =	sld [smem:$0x3F90]  }
0x1a: {  	s8 =	sadd.s32 $0xFFFFE003, lr  }
0x1b: {  	s9 =	sadd.s32 $0xFFFFFEF7, lr;
	s5 =	simm.s32 $0xFFFFFFFF;
	p2 =	slt.u32 s8, $0xFFFFF086  }
0x1c: {  	p1 =	slt.u32 s9, $0xF7A;
	s5 =	simm.s32 @!p2 $0x0  }
0x1d: {  	s5 =	simm.s32 @p1 $0x1;
	p0 =	seq.s32 s7, s2  }
0x1e: {  	s7 =	smul.u32 @!p0 $0xF7A, s2;
	p2 =	seq.s32 @!p0 s5, $0x0  }
0x1f: {  	s9 =	smul.u32 $0xF7A, s1;
	s8 =	simm.s32 @!p0 $0x1BF5;
	p2 =	por !p2, p0  }
0x20: {  	[sflag:s8] =	ssyncset.s32 @!p0 $0xFFFFF086;
	s6 =	sadd.s32 @!p0 s3, s7;
	s7 =	simm.s32 @!p0 $0x108  }
0x21: {  	s3 =	sadd.s32 s3, s9;
	s6 =	sadd.s32 @!p0 $0x88, s6;
	s7 =	simm.s32 @p2 $0x1082  }
0x22: {  	[simem:s7], [sflag:s8] =	dma.local @!p0 [hbm:s6], $0xF7A  }
0x23: {  	s9 =	sor.u32 $0xD0000000, s2;
	s6 =	simm.s32 $0x108;
	_ =	swait.ge @!p0 [sflag:s8], $0x0  }
0x24: {  	s3 =	sadd.s32 $0x88, s3;
	s6 =	simm.s32 @!p1 $0x1082;
	[sflag:s4] =	ssyncset.s32 $0xFFFFF086  }
0x25: {  	[simem:s6], [sflag:s4] =	dma.local [hbm:s3], $0xF7A  }
0x26: {  	[smem:$0x3F90] =	sst s1;
	(tag) =	ssettag s2;
	_ =	strace s9  }
0x27: {  	s1 =	sld [smem:$0x3FA0]  }
0x28: {  	s2 =	sld [smem:$0x3FA1]  }
0x29: {  	s4 =	sld [smem:$0x3FA3]  }
0x2a: {  	p0 =	seq.s32 s5, $0x0;
	s5 =	sld [smem:$0x3FA4]  }
0x2b: {  	s6 =	sld [smem:$0x3FA5]  }
0x2c: {  	s7 =	sld [smem:$0x3FA6]  }
0x2d: {  	s3 =	simm.s32 $0x108;
	s8 =	sld [smem:$0x3FA7]  }
0x2e: {  	s3 =	simm.s32 @!p0 $0x1082;
	s9 =	sld [smem:$0x3FA8]  }
0x2f: {  	lr =	sadd.s32 s0, s3;
	s0 =	sld [smem:$0x3F9F]  }
0x30: {  	s3 =	sld [smem:$0x3FA2]  }
0x31: {  	[smem:$0x3FAB] =	sst s10  }
0x32: {  	s10 =	sld [smem:$0x3FA9];
	_ =	sdelay $0x3  }
0x33: {  	p0 =	seq.s32 s10, $0x1;
	s10 =	sld [smem:$0x3FAB];
	_ =	sdelay $0x3  }
0x34: {  	[smem:$0x3FAB] =	sst s10  }
0x35: {  	s10 =	sld [smem:$0x3FAA];
	_ =	sdelay $0x3  }
0x36: {  	p1 =	seq.s32 s10, $0x1;
	s10 =	sld [smem:$0x3FAB];
	_ =	sdelay $0x3  }
0x37: {  	[smem:$0x3FAB] =	sst s10  }
0x38: {  	s10 =	sld [smem:$0x3FAC]  }
0x39: {  	_ = 	snop;
	(pc) =	sbr.ind lr, $3  }
0x3a: {  	_ = 	snop  }
0x3b: {  	_ = 	snop  }
0x3c: {  	p2 =	seq.s32 s10, $0x1;
	s10 =	sld [smem:$0x3FAB]  }
0x3d: {  	_ =	shalt  }
0x3e: {  	_ =	shalt  }
0x3f: {  	_ =	shalt  }
0x40: {  	_ =	shalt  }
0x41: {  	_ =	shalt  }
0x42: {  	_ =	shalt  }
0x43: {  	_ =	shalt  }
0x44: {  	_ =	shalt  }
0x45: {  	_ =	shalt  }
0x46: {  	_ =	shalt  }
0x47: {  	_ =	shalt  }
0x48: {  	_ =	shalt  }
0x49: {  	_ =	shalt  }
0x4a: {  	_ =	shalt  }
0x4b: {  	_ =	shalt  }
0x4c: {  	_ =	shalt  }
0x4d: {  	_ =	shalt  }
0x4e: {  	_ =	shalt  }
0x4f: {  	_ =	shalt  }
0x50: {  	_ =	shalt  }
0x51: {  	_ =	shalt  }
0x52: {  	_ =	shalt  }
0x53: {  	_ =	shalt  }
0x54: {  	_ =	shalt  }
0x55: {  	_ =	shalt  }
0x56: {  	_ =	shalt  }
0x57: {  	_ =	shalt  }
0x58: {  	_ =	shalt  }
0x59: {  	_ =	shalt  }
0x5a: {  	_ =	shalt  }
0x5b: {  	_ =	shalt  }
0x5c: {  	_ =	shalt  }
0x5d: {  	_ =	shalt  }
0x5e: {  	_ =	shalt  }
0x5f: {  	_ =	shalt  }
0x60: {  	_ =	shalt  }
0x61: {  	_ =	shalt  }
0x62: {  	_ =	shalt  }
0x63: {  	_ =	shalt  }
0x64: {  	_ =	shalt  }
0x65: {  	_ =	shalt  }
0x66: {  	_ =	shalt  }
0x67: {  	_ =	shalt  }
0x68: {  	_ =	shalt  }
0x69: {  	_ =	shalt  }
0x6a: {  	_ =	shalt  }
0x6b: {  	_ =	shalt  }
0x6c: {  	_ =	shalt  }
0x6d: {  	_ =	shalt  }
0x6e: {  	_ =	shalt  }
0x6f: {  	_ =	shalt  }
0x70: {  	_ =	shalt  }
0x71: {  	_ =	shalt  }
0x72: {  	_ =	shalt  }
0x73: {  	_ =	shalt  }
0x74: {  	_ =	shalt  }
0x75: {  	_ =	shalt  }
0x76: {  	_ =	shalt  }
0x77: {  	_ =	shalt  }
0x78: {  	_ =	shalt  }
0x79: {  	_ =	shalt  }
0x7a: {  	_ =	shalt  }
0x7b: {  	_ =	shalt  }
0x7c: {  	_ =	shalt  }
0x7d: {  	_ =	shalt  }
0x7e: {  	_ =	shalt  }
0x7f: {  	_ =	shalt  }
0x80: {  	_ =	shalt  }
0x81: {  	_ =	shalt  }
0x82: {  	_ =	shalt  }
0x83: {  	_ =	shalt  }
0x84: {  	_ =	shalt  }
0x85: {  	_ =	shalt  }
0x86: {  	_ =	shalt  }
0x87: {  	_ =	shalt  }
.Lfunc_end0:
.L_simem_size_0:
called_computation_lowered:
.L_overlay_start_0:
0x88: {  	s2 =	sld [smem:$0x3FD9]  }
0x89: {  	s3 =	sld [smem:$0x3FFE];
	_ =	sdelay $0x1  }
0x8a: {  	s1 =	srdreg.scid  }
0x8b: {  	s0 =	sand.u32 $0x1, s1  }
0x8c: {  	s17 =	sshll.u32 s0, $0xA;
	s2 =	sadd.s32 s3, s2  }
0x8d: {  	s2 =	sadd.s32 s2, s17  }
0x8e: {  	[smem:$0x3FB7] =	sst s2  }
0x8f: {  	_ = 	snop  }
0x90: {  	(tm) =	ssettm $0x1  }
0x91: {  	s18 =	sld [smem:$0x3FFB];
	_ =	sdelay $0x3  }
0x92: {  	_ =	strace s18  }
0x93: {  	s2 =	sld [smem:$0x3FFC];
	_ =	sdelay $0x3  }
0x94: {  	_ =	strace s2  }
0x95: {  	s2 =	sld [smem:$0x3FFD];
	_ =	sdelay $0x3  }
0x96: {  	_ =	strace s2  }
0x97: {  	_ =	strace $0x8FFFFFFF  }
0x98: {  	s19 =	sld [smem:$0x3FDB];
	_ =	sdelay $0x1  }
0x99: {  	s20 =	simm.s32 $_scs_section_size  }
0x9a: {  	s4 =	simm.s32 $_size__tile_overlayer_lowered;
	s5 =	simm.s32 $_tile_overlayer_lowered  }
0x9b: {  	s6 =	simm.s32 $0x1BFF;
	s21 =	sshll.u32 s5, $0x1;
	s3 =	sadd.s32 s20, s19  }
0x9c: {  	s22 =	simm.s32 $0x0;
	s4 =	sshll.u32 s4, $0x1;
	s5 =	sadd.s32 s21, s3  }
0x9d: {  	[timem:s22], [sflag:s6] =	dma.local [hbm:s5], s4  }
0x9e: {  	_ =	swait.ge [sflag:s6], s4  }
0x9f: {  	s4 =	ssub.s32 $0x0, s4;
	[sflag:s6] =	ssyncset.done $0x0  }
0xa0: {  	[sflag:s6] =	ssyncadd.s32 s4;
	_ =	sdelay $0x1  }
0xa1: {  	s23 =	simm.s32 $0x1B8B  }
0xa2: {  	_ =	swait.ge [sflag:s23], $0x1  }
0xa3: {  	[sflag:s23] =	ssyncset.done $0x0  }
0xa4: {  	[sflag:s23] =	ssyncadd.s32 $0xFFFFFFFF  }
0xa5: {  	s4 =	sld [smem:$0x0]  }
0xa6: {  	s5 =	sand.u32 $0xFFFFFFFE, s1  }
0xa7: {  	p0 =	sne.s32 s1, s5  }
0xa8: {  	s5 =	sshll.u32 @p0 s5, $0xE  }
0xa9: {  	s5 =	sadd.s32 @p0 $0x11B8D, s5;
	s6 =	sshll.u32 @p0 s4, $0x11  }
0xaa: {  	s5 =	sor.u32 @p0 s6, s5  }
0xab: {  	[sflag:s5] =	ssyncadd.remote.s32 @p0 $0x1;
	_ =	sdelay $0x1  }
0xac: {  	s5 =	simm.s32 @p0 $0x1B8D  }
0xad: {  	_ =	swait.eq @p0 [sflag:s5], $0x1  }
0xae: {  	[sflag:s5] =	ssyncadd.s32 @p0 $0xFFFFFFFF  }
0xaf: {  	s6 =	sshll.u32 @!p0 s1, $0xE  }
0xb0: {  	s6 =	sor.u32 @!p0 $0x4000, s6;
	s5 =	simm.s32 @!p0 $0x1B8D  }
0xb1: {  	s4 =	sshll.u32 @!p0 s4, $0x11;
	s6 =	sadd.s32 @!p0 $0x11B8D, s6;
	_ =	swait.eq @!p0 [sflag:s5], $0x1  }
0xb2: {  	s4 =	sor.u32 @!p0 s4, s6;
	[sflag:s5] =	ssyncadd.s32 @!p0 $0xFFFFFFFF  }
0xb3: {  	s25 =	simm.s32 $0x1B8E;
	s24 =	sld [smem:$0x3FFE];
	[sflag:s4] =	ssyncadd.remote.s32 @!p0 $0x1  }
0xb4: {  	s26 =	simm.s32 $execute0_lowered;
	[smem:$0x3FD2] =	sst s25  }
0xb5: {  	s5 =	sshll.u32 s26, $0x1;
	_ =	strace $0x80000049;
	[dreg:$0x1] =	wrdreg $0xFFFFFFFF  }
0xb6: {  	s28 =	simm.s32 $_size_execute0_lowered;
	s3 =	sadd.s32 s3, s5;
	[dreg:$0x0] =	wrdreg $0x0  }
0xb7: {  	s5 =	sshll.u32 s28, $0x1;
	[dreg:$0x2] =	wrdreg s3  }
0xb8: {  	[dreg:$0x3] =	wrdreg s5  }
0xb9: {  	[dreg:$0x4] =	wrdreg $0xC0  }
0xba: {  	_ =	task [dreg:s22], $0x5FFFF  }
0xbb: {  	[dreg:$0x1] =	wrdreg $0xFFFFFFFF  }
0xbc: {  	[dreg:$0x0] =	wrdreg $0x60  }
0xbd: {  	[dreg:$0x2] =	wrdreg s24  }
0xbe: {  	[dreg:$0x3] =	wrdreg $0xA0000  }
0xbf: {  	[dreg:$0x4] =	wrdreg $0x9  }
0xc0: {  	_ =	task.clear_ibuf [dreg:s22], $0x5FFFF;
	_ =	strace $0x90000049  }
0xc1: {  	s29 =	simm.s32 $0x9;
	_ =	strace $0x8000004B  }
0xc2: {  	_ =	swait.ge [sflag:s29], $0x1  }
0xc3: {  	[sflag:s29] =	ssyncadd.s32 $0xFFFFFFFF  }
0xc4: {  	_ =	strace $0x9000004B  }
0xc5: {  	_ =	sfence  }
0xc6: {  	s30 =	sld [smem:$0x0];
	_ =	sdelay $0x2  }
0xc7: {  	s31 =	sshll.u32 s1, $0xD;
	s1 =	sshrl.u32 s1, $0x2  }
0xc8: {  	s4 =	sand.u32 $0x4000, s31;
	s1 =	sadd.s32 s1, s30  }
0xc9: {  	s0 =	sor.u32 s4, s0;
	s1 =	sshll.u32 s1, $0x11  }
0xca: {  	s0 =	sor.u32 s1, s0  }
0xcb: {  	s0 =	sadd.s32 $0x8F2B, s0  }
0xcc: {  	[sflag:s0] =	ssyncadd.remote.s32 $0x1  }
0xcd: {  	_ =	sfence.sel $0xFFFF  }
0xce: {  	[dreg:$0x0] =	wrdreg $0xFFFFFFFF;
	(pc) =	sbr.abs _section_cstart, $3  }
0xcf: {  	[dreg:$0x1] =	wrdreg $0xFFFFFFFF  }
0xd0: {  	_ =	task.clear_ibuf [dreg:s22], $0x2FFFF;
	_ =	strace $0x9FFFFFFF  }
0xd1: {  	(tm) =	ssettm $0x7FFFFFFF  }
tec
execute0_lowered:
.L_overlay_start_1:
0x0: {  	(tag) =	ssettag $0x1  }
0x1: {  	s0 =	srdreg.scid;
	s4 =	stileid.u32  }
0x2: {  	s5 =	sand.u32 $0x1, s0;
	s2 =	sshll.u32 s4, $0x1  }
0x3: {  	s6 =	sor.u32 s5, s2;
	s5 =	ssub.s32 $0x2, s5  }
0x4: {  	s7 =	sshrl.u32 s5, $0x1  }
0x5: {  	s5 =	ssub.s32 s5, s7  }
0x6: {  	s5 =	smax.u32 s5, $0x1  }
0x7: {  	s3 =	rddreg [dreg:$0x0];
	s12 =	sadd.s32 $0xFFFFFFFF, s5  }
0x8: {  	s1 =	rddreg [dreg:$0x1];
	s6 =	smul.u32 $0xA00, s6;
	p2 =	sne.s32 s12, $0x0  }
.Ltmp0:
0x9: {  	p1 =	por $0x0, $0x0;
	s0 =	rddreg [dreg:$0x2];
	(pc) =	sbr.rel @!p2 .LBB2_3-.Ltmp0, $4  }
0xa: {  	s8 =	sadd.s32 $0x17600, s3;
	p0 =	sne.s32 s4, $0x0;
	s2 =	simm.s32 $0x0  }
0xb: {  	s4 =	simm.s32 $0x2;
	[smem:$0x7FF] =	sst s2;
	s9 =	sadd.s32 s6, s3  }
0xc: {  	_ =	strace $0x8000004A;
	s7 =	simm.s32 $0x1;
	s6 =	sadd.s32 $0x2CA00, s9  }
0xd: {  	s3 =	sadd.s32 $0x40A00, s9;
	s9 =	sshrl.u32 @!p0 s1, $0x3;
	s5 =	simm.s32 $0x5000  }
0xe: {  	s10 =	simm.s32 @!p0 $0x1C02;
	s11 =	simm.s32 @!p0 $0x2  }
0xf: {  	[spmem:s9], [sflag:s10] =	dma.local @!p0 [hbm:s8], $0x1390  }
0x10: {  	_ =	swait.ge @!p0 [sflag:s11], $0x1390  }
0x11: {  	[sflag:s11] =	ssyncset.done @!p0 $0x0  }
0x12: {  	[sflag:s11] =	ssyncadd.s32 @!p0 $0xFFFFEC70  }
0x13: {  	[tilespmem:s2], [sflag:$0x2] =	stream.linear.gather [hbm4b:s6+s2], $0x5000, $0x38;
	[tilespmem:$0xA9C8] =	vst v63  }
0x14: {  	_ =	swait.ge [sflag:s4], $0x5000  }
0x15: {  	[sflag:s4] =	ssyncset.done $0x0  }
0x16: {  	[sflag:s4] =	ssyncadd.s32 $0xFFFFB000  }
0x17: {  	s12 =	sadd.s32 $0xFFFFFFFF, s12;
	[bflag:$0x0] =	sbarrier.arrive $0xFFFF  }
0x18: {  	[tilespmem:s5], [sflag:$0x1] =	stream.indirect.gather [spmem:s1], $0x1, s2, s5, $0xb8;
	[tilespmem:$0xA9C8] =	vst v63  }
0x19: {  	p2 =	sne.s32 s12, $0x0;
	_ =	swait.ge [sflag:s7], $0x5000  }
.Ltmp1:
0x1a: {  	[sflag:s7] =	ssyncset.done $0x0;
	(pc) =	sbr.rel @!p2 .LBB2_3-.Ltmp1, $4  }
0x1b: {  	[sflag:s7] =	ssyncadd.s32 $0xFFFFB000  }
0x1c: {  	[hbm4b:s3+s2] =	stream.linear.scatter [tilespmem:s5], [sflag:$0x2], $0x5000, $0x38;
	[tilespmem:$0xA9C8] =	vst v63  }
0x1d: {  	_ =	swait.ge [sflag:s4], $0x5000  }
0x1e: {  	p1 =	por $0x1, $0x1;
	[sflag:s4] =	ssyncset.done $0x0  }
.LBB2_2:
0x1f: {  	[sflag:s4] =	ssyncadd.s32 $0xFFFFB000  }
0x20: {  	[spmem:s9], [sflag:s10] =	dma.local @!p0 [hbm:s8], $0x1390  }
0x21: {  	s12 =	sadd.s32 $0xFFFFFFFF, s12;
	_ =	swait.ge @!p0 [sflag:s11], $0x1390  }
0x22: {  	p2 =	sne.s32 s12, $0x0;
	[sflag:s11] =	ssyncset.done @!p0 $0x0  }
0x23: {  	[sflag:s11] =	ssyncadd.s32 @!p0 $0xFFFFEC70  }
0x24: {  	[tilespmem:s2], [sflag:$0x2] =	stream.linear.gather [hbm4b:s6+s2], $0x5000, $0x38;
	[tilespmem:$0xA9C8] =	vst v63  }
0x25: {  	_ =	swait.ge [sflag:s4], $0x5000  }
0x26: {  	[sflag:s4] =	ssyncset.done $0x0  }
0x27: {  	[sflag:s4] =	ssyncadd.s32 $0xFFFFB000  }
0x28: {  	[bflag:$0x0] =	sbarrier.arrive $0xFFFF  }
0x29: {  	[tilespmem:s5], [sflag:$0x1] =	stream.indirect.gather [spmem:s1], $0x1, s2, s5, $0xb8;
	[tilespmem:$0xA9C8] =	vst v63  }
0x2a: {  	_ =	swait.ge [sflag:s7], $0x5000  }
.Ltmp2:
0x2b: {  	[sflag:s7] =	ssyncset.done $0x0;
	(pc) =	sbr.rel @p2 .LBB2_2-.Ltmp2, $4  }
0x2c: {  	[sflag:s7] =	ssyncadd.s32 $0xFFFFB000  }
0x2d: {  	[hbm4b:s3+s2] =	stream.linear.scatter [tilespmem:s5], [sflag:$0x2], $0x5000, $0x38;
	[tilespmem:$0xA9C8] =	vst v63  }
0x2e: {  	_ =	swait.ge [sflag:s4], $0x5000  }
0x2f: {  	[sflag:s4] =	ssyncset.done $0x0  }
.LBB2_3:
0x30: {  	s10 =	simm.s32 @!p0 $0x1C02;
	s11 =	simm.s32 @!p0 $0x2;
	[sflag:s4] =	ssyncadd.s32 @p1 $0xFFFFB000  }
0x31: {  	[spmem:s9], [sflag:s10] =	dma.local @!p0 [hbm:s8], $0x1390  }
0x32: {  	_ =	swait.ge @!p0 [sflag:s11], $0x1390  }
0x33: {  	[sflag:s11] =	ssyncset.done @!p0 $0x0  }
0x34: {  	[sflag:s11] =	ssyncadd.s32 @!p0 $0xFFFFEC70  }
0x35: {  	[tilespmem:s2], [sflag:$0x2] =	stream.linear.gather [hbm4b:s6+s2], $0x5000, $0x38;
	[tilespmem:$0xA9C8] =	vst v63  }
0x36: {  	_ =	swait.ge [sflag:s4], $0x5000  }
0x37: {  	[sflag:s4] =	ssyncset.done $0x0  }
0x38: {  	[sflag:s4] =	ssyncadd.s32 $0xFFFFB000  }
0x39: {  	[bflag:$0x0] =	sbarrier.arrive $0xFFFF  }
0x3a: {  	[tilespmem:s5], [sflag:$0x1] =	stream.indirect.gather [spmem:s1], $0x1, s2, s5, $0xb8;
	[tilespmem:$0xA9C8] =	vst v63  }
0x3b: {  	_ =	swait.ge [sflag:s7], $0x5000  }
0x3c: {  	[sflag:s7] =	ssyncset.done $0x0  }
0x3d: {  	[sflag:s7] =	ssyncadd.s32 $0xFFFFB000  }
0x3e: {  	[hbm4b:s3+s2] =	stream.linear.scatter [tilespmem:s5], [sflag:$0x2], $0x5000, $0x38;
	[tilespmem:$0xA9C8] =	vst v63  }
0x3f: {  	_ =	swait.ge [sflag:s4], $0x5000  }
0x40: {  	[sflag:s4] =	ssyncset.done $0x0  }
0x41: {  	[sflag:s4] =	ssyncadd.s32 $0xFFFFB000  }
0x42: {  	_ =	sfence.sel $0x180000  }
0x43: {  	[bflag:$0x0] =	sbarrier.arrive $0xFFFF  }
0x44: {  	_ =	strace $0x9000004A  }
0x45: {  	s0 =	sadd.s32 @!p0 $0x100000, s0;
	[bflag:$0x2] =	sbarrier.arrive $0xFFFF  }
0x46: {  	[sflag:s0] =	ssyncadd.tile.s32 @!p0 $0x1;
	_ =	shalt  }
.Lfunc_end2:
_tile_overlayer_lowered:
.L_overlay_start_2:
0x47: {  	(tag) =	ssettag $0x2  }
0x48: {  	s0 =	rddreg [dreg:$0x0];
	s2 =	stileid.u32  }
0x49: {  	s1 =	rddreg [dreg:$0x1];
	p0 =	sne.s32 s2, $0x0  }
0x4a: {  	s3 =	rddreg [dreg:$0x2];
	[bflag:$0x3] =	sbarrier.arrive $0xFFFF;
	s2 =	simm.s32 @!p0 $0x1C02  }
0x4b: {  	[timem:s3], [sflag:s2] =	dma.local @!p0 [hbm:s0], s1  }
0x4c: {  	s0 =	simm.s32 @!p0 $0x2  }
0x4d: {  	_ =	swait.ge @!p0 [sflag:s0], s1  }
0x4e: {  	s1 =	ssub.s32 @!p0 $0x0, s1;
	[sflag:s0] =	ssyncset.done @!p0 $0x0  }
0x4f: {  	[sflag:s0] =	ssyncadd.s32 @!p0 s1  }
0x50: {  	[bflag:$0x3] =	sbarrier.arrive $0xFFFF  }
0x51: {  	_ =	shalt  }

</sc_bundles>
